<compile_context>
chip_gen: v7x
topology: tpu7x:2x2x1
jax: 0.10.2.dev20260603
libtpu: 0.0.44.dev20260713+nightly
codegen_flags: <defaults>
</compile_context>

<pallas_src>
import functools

import jax
import jax.numpy as jnp
from jax import lax
from jax.experimental import pallas as pl
from jax.experimental.pallas import tpu as pltpu
from jax.experimental.pallas import tpu_sc as plsc


def _make_gather(BS, S, D, CB):
    info = plsc.get_sparse_core_info()
    nw = info.num_cores * info.num_subcores
    rows_per_w = BS // nw
    nchunks = rows_per_w // CB
    assert nchunks * CB == rows_per_w and nchunks % 2 == 0
    mesh = plsc.VectorSubcoreMesh(core_axis_name="c", subcore_axis_name="s")

    @functools.partial(
        pl.kernel,
        mesh=mesh,
        out_type=jax.ShapeDtypeStruct((BS, S, D), jnp.float32),
        scratch_types=[
            pltpu.VMEM((rows_per_w, S), jnp.int32),
            pltpu.VMEM((CB, S, D), jnp.float32),
            pltpu.VMEM((CB, S, D), jnp.float32),
            pltpu.SemaphoreType.DMA,
            pltpu.SemaphoreType.DMA,
            pltpu.SemaphoreType.DMA,
            pltpu.SemaphoreType.DMA,
        ],
        compiler_params=pltpu.CompilerParams(use_tc_tiling_on_sc=False),
    )
    def gather_kernel(table_hbm, x_hbm, out_hbm, idx_v, r0, r1,
                      sg0, sg1, sw0, sw1):
        wid = lax.axis_index("s") * info.num_cores + lax.axis_index("c")
        base = wid * rows_per_w
        rows = (r0, r1)
        sg = (sg0, sg1)
        sw = (sw0, sw1)

        pltpu.sync_copy(x_hbm.at[pl.ds(base, rows_per_w)], idx_v)

        def start_gather(i, b):
            for j in range(CB):
                pltpu.async_copy(table_hbm.at[idx_v.at[i * CB + j]],
                                 rows[b].at[j], sg[b])

        def wait_gather(b):
            pltpu.make_async_copy(out_hbm.at[pl.ds(base, CB)], rows[b],
                                  sg[b]).wait()

        def start_write(i, b):
            pltpu.async_copy(rows[b], out_hbm.at[pl.ds(base + i * CB, CB)],
                             sw[b])

        def wait_write(b):
            pltpu.make_async_copy(rows[b], out_hbm.at[pl.ds(base, CB)],
                                  sw[b]).wait()

        start_gather(0, 0)
        start_gather(1, 1)

        def pair(k, carry):
            for b in (0, 1):
                i = 2 * k + b
                wait_gather(b)
                start_write(i, b)

                @pl.when(i + 2 < nchunks)
                def _():
                    wait_write(b)
                    start_gather(i + 2, b)

            return carry

        lax.fori_loop(0, nchunks // 2, pair, 0)
        wait_write(0)
        wait_write(1)

    return gather_kernel


def kernel(x, table):
    bs, s = x.shape
    d = table.shape[1]
    return _make_gather(bs, s, d, 8)(table, x.astype(jnp.int32))

# --- scband reference (transcript-rebuilt; emitter-appended) ---
"""Pipeline reference for scband-embedding-net-8186207666334 (READ-ONLY COPY).

The authoritative reference and input builder live on the scoring server;
editing this copy changes nothing except your own understanding.
"""

import jax, jax.numpy as jnp
import numpy as np

VOCAB = 1000000
EMBED_DIM = 64

def setup_inputs(seed: int = 0) -> dict:
    key = jax.random.key(seed)
    k1, k2 = jax.random.split(key)
    x = jax.random.randint(k1, (16384, 50), 0, VOCAB, dtype=jnp.int64 if jax.config.jax_enable_x64 else jnp.int32)
    table = jax.random.normal(k2, (VOCAB, EMBED_DIM), dtype=jnp.float32) * 0.02
    return {"x": x, "table": table}

def reference(x, table):
    # EmbeddingNet.forward: self.embedding(x) -> row gather from embedding table
    return jnp.take(table, x, axis=0)

if __name__ == "__main__":
    import jax
    _d = setup_inputs()
    print(jax.jit(kernel)(*tuple(_d.values())))

</pallas_src>

<mosaic_0001>
#map = affine_map<(d0, d1) -> (0, 0)>
#map1 = affine_map<(d0, d1) -> (0, 0, 0)>
module attributes {stable_mosaic.version = 14 : i64} {
  func.func @gather_kernel(%arg0: i32, %arg1: i32, %arg2: memref<1000000x64xf32, #tpu.memory_space<hbm>>, %arg3: memref<16384x50xi32, #tpu.memory_space<hbm>>, %arg4: memref<16384x50x64xf32, #tpu.memory_space<hbm>>, %arg5: memref<512x50xi32, #tpu.memory_space<vmem>>, %arg6: memref<8x50x64xf32, #tpu.memory_space<vmem>>, %arg7: memref<8x50x64xf32, #tpu.memory_space<vmem>>, %arg8: memref<!tpu.dma_semaphore, #tpu.memory_space<semaphore_mem>>, %arg9: memref<!tpu.dma_semaphore, #tpu.memory_space<semaphore_mem>>, %arg10: memref<!tpu.dma_semaphore, #tpu.memory_space<semaphore_mem>>, %arg11: memref<!tpu.dma_semaphore, #tpu.memory_space<semaphore_mem>>) attributes {dimension_semantics = [#tpu.dimension_semantics<core_parallel>, #tpu.dimension_semantics<subcore_parallel>], iteration_bounds = array<i64: 2, 16>, scalar_prefetch = 0 : i64, scratch_operands = 7 : i64, tpu.core_type = #tpu.core_type<sc_vector_subcore>, window_params = [{transform_indices = #map}, {transform_indices = #map}, {transform_indices = #map1}]} {
    %mul3A = arith.constant 2 : i32
    %mul3A_0 = arith.muli %arg1, %mul3A : i32
    %add3A = arith.addi %mul3A_0, %arg0 : i32
    %mul3A_1 = arith.constant 512 : i32
    %mul3A_2 = arith.muli %add3A, %mul3A_1 : i32
    "tpu.region"() ({
      %run_scoped3A = tpu.sem_alloc : memref<!tpu.dma_semaphore, #tpu.memory_space<semaphore_mem>>
      %dma_start3A_210 = arith.constant 0 : i32
      %dma_start3A_211 = tpu.memref_slice %arg3[%mul3A_2, %dma_start3A_210] : memref<16384x50xi32, #tpu.memory_space<hbm>> -> memref<512x50xi32, #tpu.memory_space<hbm>>
      %dma_start3A_212 = arith.constant 0 : i32
      %dma_start3A_213 = tpu.memref_slice %arg3[%mul3A_2, %dma_start3A_212] : memref<16384x50xi32, #tpu.memory_space<hbm>> -> memref<512x50xi32, #tpu.memory_space<hbm>>
      tpu.enqueue_dma source(%dma_start3A_213 : memref<512x50xi32, #tpu.memory_space<hbm>>) target(%arg5 : memref<512x50xi32, #tpu.memory_space<vmem>>) target_semaphore(%run_scoped3A : memref<!tpu.dma_semaphore, #tpu.memory_space<semaphore_mem>>)
      %dma_wait3A_214 = arith.constant 0 : i32
      %dma_wait3A_215 = tpu.memref_slice %arg3[%mul3A_2, %dma_wait3A_214] : memref<16384x50xi32, #tpu.memory_space<hbm>> -> memref<512x50xi32, #tpu.memory_space<hbm>>
      %dma_wait3A_216 = arith.constant 0 : i32
      %dma_wait3A_217 = tpu.memref_slice %arg3[%mul3A_2, %dma_wait3A_216] : memref<16384x50xi32, #tpu.memory_space<hbm>> -> memref<512x50xi32, #tpu.memory_space<hbm>>
      tpu.wait_dma2 semaphore(%run_scoped3A : memref<!tpu.dma_semaphore, #tpu.memory_space<semaphore_mem>>) src(%dma_wait3A_217 : memref<512x50xi32, #tpu.memory_space<hbm>>) dst(%arg5 : memref<512x50xi32, #tpu.memory_space<vmem>>)
      tpu.yield
    }) : () -> ()
    %dma_start3A = arith.constant 0 : i32
    %dma_start3A_3 = arith.constant 0 : i32
    %dma_start3A_4 = arith.constant 0 : i32
    %dma_start3A_5 = arith.constant 0 : i32
    %dma_start3A_6 = tpu.memref_slice %arg6[%dma_start3A_3, %dma_start3A_4, %dma_start3A_5] : memref<8x50x64xf32, #tpu.memory_space<vmem>> -> memref<1x50x64xf32, #tpu.memory_space<vmem>>
    %dma_start3A_7 = tpu.memref_squeeze %dma_start3A_6 : memref<1x50x64xf32, #tpu.memory_space<vmem>> -> memref<50x64xf32, #tpu.memory_space<vmem>>
    %dma_start3A_8 = arith.constant 0 : i32
    %dma_start3A_9 = tpu.memref_slice %arg5[%dma_start3A, %dma_start3A_8] : memref<512x50xi32, #tpu.memory_space<vmem>> -> memref<1x50xi32, #tpu.memory_space<vmem>>
    %dma_start3A_10 = tpu.memref_squeeze %dma_start3A_9 : memref<1x50xi32, #tpu.memory_space<vmem>> -> memref<50xi32, #tpu.memory_space<vmem>>
    %dma_start3A_11 = arith.constant 0 : i32
    %dma_start3A_12 = arith.constant 0 : i32
    %dma_start3A_13 = tpu.memref_slice %arg2[%dma_start3A_11, %dma_start3A_12] : memref<1000000x64xf32, #tpu.memory_space<hbm>> -> memref<1000000x64xf32, #tpu.memory_space<hbm>>
    tpu.enqueue_indirect_dma source(%dma_start3A_13 : memref<1000000x64xf32, #tpu.memory_space<hbm>>) target(%dma_start3A_7 : memref<50x64xf32, #tpu.memory_space<vmem>>) offsets(%dma_start3A_10 : memref<50xi32, #tpu.memory_space<vmem>>) semaphore(%arg8 : memref<!tpu.dma_semaphore, #tpu.memory_space<semaphore_mem>>)
    %dma_start3A_14 = arith.constant 1 : i32
    %dma_start3A_15 = arith.constant 1 : i32
    %dma_start3A_16 = arith.constant 0 : i32
    %dma_start3A_17 = arith.constant 0 : i32
    %dma_start3A_18 = tpu.memref_slice %arg6[%dma_start3A_15, %dma_start3A_16, %dma_start3A_17] : memref<8x50x64xf32, #tpu.memory_space<vmem>> -> memref<1x50x64xf32, #tpu.memory_space<vmem>>
    %dma_start3A_19 = tpu.memref_squeeze %dma_start3A_18 : memref<1x50x64xf32, #tpu.memory_space<vmem>> -> memref<50x64xf32, #tpu.memory_space<vmem>>
    %dma_start3A_20 = arith.constant 0 : i32
    %dma_start3A_21 = tpu.memref_slice %arg5[%dma_start3A_14, %dma_start3A_20] : memref<512x50xi32, #tpu.memory_space<vmem>> -> memref<1x50xi32, #tpu.memory_space<vmem>>
    %dma_start3A_22 = tpu.memref_squeeze %dma_start3A_21 : memref<1x50xi32, #tpu.memory_space<vmem>> -> memref<50xi32, #tpu.memory_space<vmem>>
    %dma_start3A_23 = arith.constant 0 : i32
    %dma_start3A_24 = arith.constant 0 : i32
    %dma_start3A_25 = tpu.memref_slice %arg2[%dma_start3A_23, %dma_start3A_24] : memref<1000000x64xf32, #tpu.memory_space<hbm>> -> memref<1000000x64xf32, #tpu.memory_space<hbm>>
    tpu.enqueue_indirect_dma source(%dma_start3A_25 : memref<1000000x64xf32, #tpu.memory_space<hbm>>) target(%dma_start3A_19 : memref<50x64xf32, #tpu.memory_space<vmem>>) offsets(%dma_start3A_22 : memref<50xi32, #tpu.memory_space<vmem>>) semaphore(%arg8 : memref<!tpu.dma_semaphore, #tpu.memory_space<semaphore_mem>>)
    %dma_start3A_26 = arith.constant 2 : i32
    %dma_start3A_27 = arith.constant 2 : i32
    %dma_start3A_28 = arith.constant 0 : i32
    %dma_start3A_29 = arith.constant 0 : i32
    %dma_start3A_30 = tpu.memref_slice %arg6[%dma_start3A_27, %dma_start3A_28, %dma_start3A_29] : memref<8x50x64xf32, #tpu.memory_space<vmem>> -> memref<1x50x64xf32, #tpu.memory_space<vmem>>
    %dma_start3A_31 = tpu.memref_squeeze %dma_start3A_30 : memref<1x50x64xf32, #tpu.memory_space<vmem>> -> memref<50x64xf32, #tpu.memory_space<vmem>>
    %dma_start3A_32 = arith.constant 0 : i32
    %dma_start3A_33 = tpu.memref_slice %arg5[%dma_start3A_26, %dma_start3A_32] : memref<512x50xi32, #tpu.memory_space<vmem>> -> memref<1x50xi32, #tpu.memory_space<vmem>>
    %dma_start3A_34 = tpu.memref_squeeze %dma_start3A_33 : memref<1x50xi32, #tpu.memory_space<vmem>> -> memref<50xi32, #tpu.memory_space<vmem>>
    %dma_start3A_35 = arith.constant 0 : i32
    %dma_start3A_36 = arith.constant 0 : i32
    %dma_start3A_37 = tpu.memref_slice %arg2[%dma_start3A_35, %dma_start3A_36] : memref<1000000x64xf32, #tpu.memory_space<hbm>> -> memref<1000000x64xf32, #tpu.memory_space<hbm>>
    tpu.enqueue_indirect_dma source(%dma_start3A_37 : memref<1000000x64xf32, #tpu.memory_space<hbm>>) target(%dma_start3A_31 : memref<50x64xf32, #tpu.memory_space<vmem>>) offsets(%dma_start3A_34 : memref<50xi32, #tpu.memory_space<vmem>>) semaphore(%arg8 : memref<!tpu.dma_semaphore, #tpu.memory_space<semaphore_mem>>)
    %dma_start3A_38 = arith.constant 3 : i32
    %dma_start3A_39 = arith.constant 3 : i32
    %dma_start3A_40 = arith.constant 0 : i32
    %dma_start3A_41 = arith.constant 0 : i32
    %dma_start3A_42 = tpu.memref_slice %arg6[%dma_start3A_39, %dma_start3A_40, %dma_start3A_41] : memref<8x50x64xf32, #tpu.memory_space<vmem>> -> memref<1x50x64xf32, #tpu.memory_space<vmem>>
    %dma_start3A_43 = tpu.memref_squeeze %dma_start3A_42 : memref<1x50x64xf32, #tpu.memory_space<vmem>> -> memref<50x64xf32, #tpu.memory_space<vmem>>
    %dma_start3A_44 = arith.constant 0 : i32
    %dma_start3A_45 = tpu.memref_slice %arg5[%dma_start3A_38, %dma_start3A_44] : memref<512x50xi32, #tpu.memory_space<vmem>> -> memref<1x50xi32, #tpu.memory_space<vmem>>
    %dma_start3A_46 = tpu.memref_squeeze %dma_start3A_45 : memref<1x50xi32, #tpu.memory_space<vmem>> -> memref<50xi32, #tpu.memory_space<vmem>>
    %dma_start3A_47 = arith.constant 0 : i32
    %dma_start3A_48 = arith.constant 0 : i32
    %dma_start3A_49 = tpu.memref_slice %arg2[%dma_start3A_47, %dma_start3A_48] : memref<1000000x64xf32, #tpu.memory_space<hbm>> -> memref<1000000x64xf32, #tpu.memory_space<hbm>>
    tpu.enqueue_indirect_dma source(%dma_start3A_49 : memref<1000000x64xf32, #tpu.memory_space<hbm>>) target(%dma_start3A_43 : memref<50x64xf32, #tpu.memory_space<vmem>>) offsets(%dma_start3A_46 : memref<50xi32, #tpu.memory_space<vmem>>) semaphore(%arg8 : memref<!tpu.dma_semaphore, #tpu.memory_space<semaphore_mem>>)
    %dma_start3A_50 = arith.constant 4 : i32
    %dma_start3A_51 = arith.constant 4 : i32
    %dma_start3A_52 = arith.constant 0 : i32
    %dma_start3A_53 = arith.constant 0 : i32
    %dma_start3A_54 = tpu.memref_slice %arg6[%dma_start3A_51, %dma_start3A_52, %dma_start3A_53] : memref<8x50x64xf32, #tpu.memory_space<vmem>> -> memref<1x50x64xf32, #tpu.memory_space<vmem>>
    %dma_start3A_55 = tpu.memref_squeeze %dma_start3A_54 : memref<1x50x64xf32, #tpu.memory_space<vmem>> -> memref<50x64xf32, #tpu.memory_space<vmem>>
    %dma_start3A_56 = arith.constant 0 : i32
    %dma_start3A_57 = tpu.memref_slice %arg5[%dma_start3A_50, %dma_start3A_56] : memref<512x50xi32, #tpu.memory_space<vmem>> -> memref<1x50xi32, #tpu.memory_space<vmem>>
    %dma_start3A_58 = tpu.memref_squeeze %dma_start3A_57 : memref<1x50xi32, #tpu.memory_space<vmem>> -> memref<50xi32, #tpu.memory_space<vmem>>
    %dma_start3A_59 = arith.constant 0 : i32
    %dma_start3A_60 = arith.constant 0 : i32
    %dma_start3A_61 = tpu.memref_slice %arg2[%dma_start3A_59, %dma_start3A_60] : memref<1000000x64xf32, #tpu.memory_space<hbm>> -> memref<1000000x64xf32, #tpu.memory_space<hbm>>
    tpu.enqueue_indirect_dma source(%dma_start3A_61 : memref<1000000x64xf32, #tpu.memory_space<hbm>>) target(%dma_start3A_55 : memref<50x64xf32, #tpu.memory_space<vmem>>) offsets(%dma_start3A_58 : memref<50xi32, #tpu.memory_space<vmem>>) semaphore(%arg8 : memref<!tpu.dma_semaphore, #tpu.memory_space<semaphore_mem>>)
    %dma_start3A_62 = arith.constant 5 : i32
    %dma_start3A_63 = arith.constant 5 : i32
    %dma_start3A_64 = arith.constant 0 : i32
    %dma_start3A_65 = arith.constant 0 : i32
    %dma_start3A_66 = tpu.memref_slice %arg6[%dma_start3A_63, %dma_start3A_64, %dma_start3A_65] : memref<8x50x64xf32, #tpu.memory_space<vmem>> -> memref<1x50x64xf32, #tpu.memory_space<vmem>>
    %dma_start3A_67 = tpu.memref_squeeze %dma_start3A_66 : memref<1x50x64xf32, #tpu.memory_space<vmem>> -> memref<50x64xf32, #tpu.memory_space<vmem>>
    %dma_start3A_68 = arith.constant 0 : i32
    %dma_start3A_69 = tpu.memref_slice %arg5[%dma_start3A_62, %dma_start3A_68] : memref<512x50xi32, #tpu.memory_space<vmem>> -> memref<1x50xi32, #tpu.memory_space<vmem>>
    %dma_start3A_70 = tpu.memref_squeeze %dma_start3A_69 : memref<1x50xi32, #tpu.memory_space<vmem>> -> memref<50xi32, #tpu.memory_space<vmem>>
    %dma_start3A_71 = arith.constant 0 : i32
    %dma_start3A_72 = arith.constant 0 : i32
    %dma_start3A_73 = tpu.memref_slice %arg2[%dma_start3A_71, %dma_start3A_72] : memref<1000000x64xf32, #tpu.memory_space<hbm>> -> memref<1000000x64xf32, #tpu.memory_space<hbm>>
    tpu.enqueue_indirect_dma source(%dma_start3A_73 : memref<1000000x64xf32, #tpu.memory_space<hbm>>) target(%dma_start3A_67 : memref<50x64xf32, #tpu.memory_space<vmem>>) offsets(%dma_start3A_70 : memref<50xi32, #tpu.memory_space<vmem>>) semaphore(%arg8 : memref<!tpu.dma_semaphore, #tpu.memory_space<semaphore_mem>>)
    %dma_start3A_74 = arith.constant 6 : i32
    %dma_start3A_75 = arith.constant 6 : i32
    %dma_start3A_76 = arith.constant 0 : i32
    %dma_start3A_77 = arith.constant 0 : i32
    %dma_start3A_78 = tpu.memref_slice %arg6[%dma_start3A_75, %dma_start3A_76, %dma_start3A_77] : memref<8x50x64xf32, #tpu.memory_space<vmem>> -> memref<1x50x64xf32, #tpu.memory_space<vmem>>
    %dma_start3A_79 = tpu.memref_squeeze %dma_start3A_78 : memref<1x50x64xf32, #tpu.memory_space<vmem>> -> memref<50x64xf32, #tpu.memory_space<vmem>>
    %dma_start3A_80 = arith.constant 0 : i32
    %dma_start3A_81 = tpu.memref_slice %arg5[%dma_start3A_74, %dma_start3A_80] : memref<512x50xi32, #tpu.memory_space<vmem>> -> memref<1x50xi32, #tpu.memory_space<vmem>>
    %dma_start3A_82 = tpu.memref_squeeze %dma_start3A_81 : memref<1x50xi32, #tpu.memory_space<vmem>> -> memref<50xi32, #tpu.memory_space<vmem>>
    %dma_start3A_83 = arith.constant 0 : i32
    %dma_start3A_84 = arith.constant 0 : i32
    %dma_start3A_85 = tpu.memref_slice %arg2[%dma_start3A_83, %dma_start3A_84] : memref<1000000x64xf32, #tpu.memory_space<hbm>> -> memref<1000000x64xf32, #tpu.memory_space<hbm>>
    tpu.enqueue_indirect_dma source(%dma_start3A_85 : memref<1000000x64xf32, #tpu.memory_space<hbm>>) target(%dma_start3A_79 : memref<50x64xf32, #tpu.memory_space<vmem>>) offsets(%dma_start3A_82 : memref<50xi32, #tpu.memory_space<vmem>>) semaphore(%arg8 : memref<!tpu.dma_semaphore, #tpu.memory_space<semaphore_mem>>)
    %dma_start3A_86 = arith.constant 7 : i32
    %dma_start3A_87 = arith.constant 7 : i32
    %dma_start3A_88 = arith.constant 0 : i32
    %dma_start3A_89 = arith.constant 0 : i32
    %dma_start3A_90 = tpu.memref_slice %arg6[%dma_start3A_87, %dma_start3A_88, %dma_start3A_89] : memref<8x50x64xf32, #tpu.memory_space<vmem>> -> memref<1x50x64xf32, #tpu.memory_space<vmem>>
    %dma_start3A_91 = tpu.memref_squeeze %dma_start3A_90 : memref<1x50x64xf32, #tpu.memory_space<vmem>> -> memref<50x64xf32, #tpu.memory_space<vmem>>
    %dma_start3A_92 = arith.constant 0 : i32
    %dma_start3A_93 = tpu.memref_slice %arg5[%dma_start3A_86, %dma_start3A_92] : memref<512x50xi32, #tpu.memory_space<vmem>> -> memref<1x50xi32, #tpu.memory_space<vmem>>
    %dma_start3A_94 = tpu.memref_squeeze %dma_start3A_93 : memref<1x50xi32, #tpu.memory_space<vmem>> -> memref<50xi32, #tpu.memory_space<vmem>>
    %dma_start3A_95 = arith.constant 0 : i32
    %dma_start3A_96 = arith.constant 0 : i32
    %dma_start3A_97 = tpu.memref_slice %arg2[%dma_start3A_95, %dma_start3A_96] : memref<1000000x64xf32, #tpu.memory_space<hbm>> -> memref<1000000x64xf32, #tpu.memory_space<hbm>>
    tpu.enqueue_indirect_dma source(%dma_start3A_97 : memref<1000000x64xf32, #tpu.memory_space<hbm>>) target(%dma_start3A_91 : memref<50x64xf32, #tpu.memory_space<vmem>>) offsets(%dma_start3A_94 : memref<50xi32, #tpu.memory_space<vmem>>) semaphore(%arg8 : memref<!tpu.dma_semaphore, #tpu.memory_space<semaphore_mem>>)
    %dma_start3A_98 = arith.constant 8 : i32
    %dma_start3A_99 = arith.constant 0 : i32
    %dma_start3A_100 = arith.constant 0 : i32
    %dma_start3A_101 = arith.constant 0 : i32
    %dma_start3A_102 = tpu.memref_slice %arg7[%dma_start3A_99, %dma_start3A_100, %dma_start3A_101] : memref<8x50x64xf32, #tpu.memory_space<vmem>> -> memref<1x50x64xf32, #tpu.memory_space<vmem>>
    %dma_start3A_103 = tpu.memref_squeeze %dma_start3A_102 : memref<1x50x64xf32, #tpu.memory_space<vmem>> -> memref<50x64xf32, #tpu.memory_space<vmem>>
    %dma_start3A_104 = arith.constant 0 : i32
    %dma_start3A_105 = tpu.memref_slice %arg5[%dma_start3A_98, %dma_start3A_104] : memref<512x50xi32, #tpu.memory_space<vmem>> -> memref<1x50xi32, #tpu.memory_space<vmem>>
    %dma_start3A_106 = tpu.memref_squeeze %dma_start3A_105 : memref<1x50xi32, #tpu.memory_space<vmem>> -> memref<50xi32, #tpu.memory_space<vmem>>
    %dma_start3A_107 = arith.constant 0 : i32
    %dma_start3A_108 = arith.constant 0 : i32
    %dma_start3A_109 = tpu.memref_slice %arg2[%dma_start3A_107, %dma_start3A_108] : memref<1000000x64xf32, #tpu.memory_space<hbm>> -> memref<1000000x64xf32, #tpu.memory_space<hbm>>
    tpu.enqueue_indirect_dma source(%dma_start3A_109 : memref<1000000x64xf32, #tpu.memory_space<hbm>>) target(%dma_start3A_103 : memref<50x64xf32, #tpu.memory_space<vmem>>) offsets(%dma_start3A_106 : memref<50xi32, #tpu.memory_space<vmem>>) semaphore(%arg9 : memref<!tpu.dma_semaphore, #tpu.memory_space<semaphore_mem>>)
    %dma_start3A_110 = arith.constant 9 : i32
    %dma_start3A_111 = arith.constant 1 : i32
    %dma_start3A_112 = arith.constant 0 : i32
    %dma_start3A_113 = arith.constant 0 : i32
    %dma_start3A_114 = tpu.memref_slice %arg7[%dma_start3A_111, %dma_start3A_112, %dma_start3A_113] : memref<8x50x64xf32, #tpu.memory_space<vmem>> -> memref<1x50x64xf32, #tpu.memory_space<vmem>>
    %dma_start3A_115 = tpu.memref_squeeze %dma_start3A_114 : memref<1x50x64xf32, #tpu.memory_space<vmem>> -> memref<50x64xf32, #tpu.memory_space<vmem>>
    %dma_start3A_116 = arith.constant 0 : i32
    %dma_start3A_117 = tpu.memref_slice %arg5[%dma_start3A_110, %dma_start3A_116] : memref<512x50xi32, #tpu.memory_space<vmem>> -> memref<1x50xi32, #tpu.memory_space<vmem>>
    %dma_start3A_118 = tpu.memref_squeeze %dma_start3A_117 : memref<1x50xi32, #tpu.memory_space<vmem>> -> memref<50xi32, #tpu.memory_space<vmem>>
    %dma_start3A_119 = arith.constant 0 : i32
    %dma_start3A_120 = arith.constant 0 : i32
    %dma_start3A_121 = tpu.memref_slice %arg2[%dma_start3A_119, %dma_start3A_120] : memref<1000000x64xf32, #tpu.memory_space<hbm>> -> memref<1000000x64xf32, #tpu.memory_space<hbm>>
    tpu.enqueue_indirect_dma source(%dma_start3A_121 : memref<1000000x64xf32, #tpu.memory_space<hbm>>) target(%dma_start3A_115 : memref<50x64xf32, #tpu.memory_space<vmem>>) offsets(%dma_start3A_118 : memref<50xi32, #tpu.memory_space<vmem>>) semaphore(%arg9 : memref<!tpu.dma_semaphore, #tpu.memory_space<semaphore_mem>>)
    %dma_start3A_122 = arith.constant 10 : i32
    %dma_start3A_123 = arith.constant 2 : i32
    %dma_start3A_124 = arith.constant 0 : i32
    %dma_start3A_125 = arith.constant 0 : i32
    %dma_start3A_126 = tpu.memref_slice %arg7[%dma_start3A_123, %dma_start3A_124, %dma_start3A_125] : memref<8x50x64xf32, #tpu.memory_space<vmem>> -> memref<1x50x64xf32, #tpu.memory_space<vmem>>
    %dma_start3A_127 = tpu.memref_squeeze %dma_start3A_126 : memref<1x50x64xf32, #tpu.memory_space<vmem>> -> memref<50x64xf32, #tpu.memory_space<vmem>>
    %dma_start3A_128 = arith.constant 0 : i32
    %dma_start3A_129 = tpu.memref_slice %arg5[%dma_start3A_122, %dma_start3A_128] : memref<512x50xi32, #tpu.memory_space<vmem>> -> memref<1x50xi32, #tpu.memory_space<vmem>>
    %dma_start3A_130 = tpu.memref_squeeze %dma_start3A_129 : memref<1x50xi32, #tpu.memory_space<vmem>> -> memref<50xi32, #tpu.memory_space<vmem>>
    %dma_start3A_131 = arith.constant 0 : i32
    %dma_start3A_132 = arith.constant 0 : i32
    %dma_start3A_133 = tpu.memref_slice %arg2[%dma_start3A_131, %dma_start3A_132] : memref<1000000x64xf32, #tpu.memory_space<hbm>> -> memref<1000000x64xf32, #tpu.memory_space<hbm>>
    tpu.enqueue_indirect_dma source(%dma_start3A_133 : memref<1000000x64xf32, #tpu.memory_space<hbm>>) target(%dma_start3A_127 : memref<50x64xf32, #tpu.memory_space<vmem>>) offsets(%dma_start3A_130 : memref<50xi32, #tpu.memory_space<vmem>>) semaphore(%arg9 : memref<!tpu.dma_semaphore, #tpu.memory_space<semaphore_mem>>)
    %dma_start3A_134 = arith.constant 11 : i32
    %dma_start3A_135 = arith.constant 3 : i32
    %dma_start3A_136 = arith.constant 0 : i32
    %dma_start3A_137 = arith.constant 0 : i32
    %dma_start3A_138 = tpu.memref_slice %arg7[%dma_start3A_135, %dma_start3A_136, %dma_start3A_137] : memref<8x50x64xf32, #tpu.memory_space<vmem>> -> memref<1x50x64xf32, #tpu.memory_space<vmem>>
    %dma_start3A_139 = tpu.memref_squeeze %dma_start3A_138 : memref<1x50x64xf32, #tpu.memory_space<vmem>> -> memref<50x64xf32, #tpu.memory_space<vmem>>
    %dma_start3A_140 = arith.constant 0 : i32
    %dma_start3A_141 = tpu.memref_slice %arg5[%dma_start3A_134, %dma_start3A_140] : memref<512x50xi32, #tpu.memory_space<vmem>> -> memref<1x50xi32, #tpu.memory_space<vmem>>
    %dma_start3A_142 = tpu.memref_squeeze %dma_start3A_141 : memref<1x50xi32, #tpu.memory_space<vmem>> -> memref<50xi32, #tpu.memory_space<vmem>>
    %dma_start3A_143 = arith.constant 0 : i32
    %dma_start3A_144 = arith.constant 0 : i32
    %dma_start3A_145 = tpu.memref_slice %arg2[%dma_start3A_143, %dma_start3A_144] : memref<1000000x64xf32, #tpu.memory_space<hbm>> -> memref<1000000x64xf32, #tpu.memory_space<hbm>>
    tpu.enqueue_indirect_dma source(%dma_start3A_145 : memref<1000000x64xf32, #tpu.memory_space<hbm>>) target(%dma_start3A_139 : memref<50x64xf32, #tpu.memory_space<vmem>>) offsets(%dma_start3A_142 : memref<50xi32, #tpu.memory_space<vmem>>) semaphore(%arg9 : memref<!tpu.dma_semaphore, #tpu.memory_space<semaphore_mem>>)
    %dma_start3A_146 = arith.constant 12 : i32
    %dma_start3A_147 = arith.constant 4 : i32
    %dma_start3A_148 = arith.constant 0 : i32
    %dma_start3A_149 = arith.constant 0 : i32
    %dma_start3A_150 = tpu.memref_slice %arg7[%dma_start3A_147, %dma_start3A_148, %dma_start3A_149] : memref<8x50x64xf32, #tpu.memory_space<vmem>> -> memref<1x50x64xf32, #tpu.memory_space<vmem>>
    %dma_start3A_151 = tpu.memref_squeeze %dma_start3A_150 : memref<1x50x64xf32, #tpu.memory_space<vmem>> -> memref<50x64xf32, #tpu.memory_space<vmem>>
    %dma_start3A_152 = arith.constant 0 : i32
    %dma_start3A_153 = tpu.memref_slice %arg5[%dma_start3A_146, %dma_start3A_152] : memref<512x50xi32, #tpu.memory_space<vmem>> -> memref<1x50xi32, #tpu.memory_space<vmem>>
    %dma_start3A_154 = tpu.memref_squeeze %dma_start3A_153 : memref<1x50xi32, #tpu.memory_space<vmem>> -> memref<50xi32, #tpu.memory_space<vmem>>
    %dma_start3A_155 = arith.constant 0 : i32
    %dma_start3A_156 = arith.constant 0 : i32
    %dma_start3A_157 = tpu.memref_slice %arg2[%dma_start3A_155, %dma_start3A_156] : memref<1000000x64xf32, #tpu.memory_space<hbm>> -> memref<1000000x64xf32, #tpu.memory_space<hbm>>
    tpu.enqueue_indirect_dma source(%dma_start3A_157 : memref<1000000x64xf32, #tpu.memory_space<hbm>>) target(%dma_start3A_151 : memref<50x64xf32, #tpu.memory_space<vmem>>) offsets(%dma_start3A_154 : memref<50xi32, #tpu.memory_space<vmem>>) semaphore(%arg9 : memref<!tpu.dma_semaphore, #tpu.memory_space<semaphore_mem>>)
    %dma_start3A_158 = arith.constant 13 : i32
    %dma_start3A_159 = arith.constant 5 : i32
    %dma_start3A_160 = arith.constant 0 : i32
    %dma_start3A_161 = arith.constant 0 : i32
    %dma_start3A_162 = tpu.memref_slice %arg7[%dma_start3A_159, %dma_start3A_160, %dma_start3A_161] : memref<8x50x64xf32, #tpu.memory_space<vmem>> -> memref<1x50x64xf32, #tpu.memory_space<vmem>>
    %dma_start3A_163 = tpu.memref_squeeze %dma_start3A_162 : memref<1x50x64xf32, #tpu.memory_space<vmem>> -> memref<50x64xf32, #tpu.memory_space<vmem>>
    %dma_start3A_164 = arith.constant 0 : i32
    %dma_start3A_165 = tpu.memref_slice %arg5[%dma_start3A_158, %dma_start3A_164] : memref<512x50xi32, #tpu.memory_space<vmem>> -> memref<1x50xi32, #tpu.memory_space<vmem>>
    %dma_start3A_166 = tpu.memref_squeeze %dma_start3A_165 : memref<1x50xi32, #tpu.memory_space<vmem>> -> memref<50xi32, #tpu.memory_space<vmem>>
    %dma_start3A_167 = arith.constant 0 : i32
    %dma_start3A_168 = arith.constant 0 : i32
    %dma_start3A_169 = tpu.memref_slice %arg2[%dma_start3A_167, %dma_start3A_168] : memref<1000000x64xf32, #tpu.memory_space<hbm>> -> memref<1000000x64xf32, #tpu.memory_space<hbm>>
    tpu.enqueue_indirect_dma source(%dma_start3A_169 : memref<1000000x64xf32, #tpu.memory_space<hbm>>) target(%dma_start3A_163 : memref<50x64xf32, #tpu.memory_space<vmem>>) offsets(%dma_start3A_166 : memref<50xi32, #tpu.memory_space<vmem>>) semaphore(%arg9 : memref<!tpu.dma_semaphore, #tpu.memory_space<semaphore_mem>>)
    %dma_start3A_170 = arith.constant 14 : i32
    %dma_start3A_171 = arith.constant 6 : i32
    %dma_start3A_172 = arith.constant 0 : i32
    %dma_start3A_173 = arith.constant 0 : i32
    %dma_start3A_174 = tpu.memref_slice %arg7[%dma_start3A_171, %dma_start3A_172, %dma_start3A_173] : memref<8x50x64xf32, #tpu.memory_space<vmem>> -> memref<1x50x64xf32, #tpu.memory_space<vmem>>
    %dma_start3A_175 = tpu.memref_squeeze %dma_start3A_174 : memref<1x50x64xf32, #tpu.memory_space<vmem>> -> memref<50x64xf32, #tpu.memory_space<vmem>>
    %dma_start3A_176 = arith.constant 0 : i32
    %dma_start3A_177 = tpu.memref_slice %arg5[%dma_start3A_170, %dma_start3A_176] : memref<512x50xi32, #tpu.memory_space<vmem>> -> memref<1x50xi32, #tpu.memory_space<vmem>>
    %dma_start3A_178 = tpu.memref_squeeze %dma_start3A_177 : memref<1x50xi32, #tpu.memory_space<vmem>> -> memref<50xi32, #tpu.memory_space<vmem>>
    %dma_start3A_179 = arith.constant 0 : i32
    %dma_start3A_180 = arith.constant 0 : i32
    %dma_start3A_181 = tpu.memref_slice %arg2[%dma_start3A_179, %dma_start3A_180] : memref<1000000x64xf32, #tpu.memory_space<hbm>> -> memref<1000000x64xf32, #tpu.memory_space<hbm>>
    tpu.enqueue_indirect_dma source(%dma_start3A_181 : memref<1000000x64xf32, #tpu.memory_space<hbm>>) target(%dma_start3A_175 : memref<50x64xf32, #tpu.memory_space<vmem>>) offsets(%dma_start3A_178 : memref<50xi32, #tpu.memory_space<vmem>>) semaphore(%arg9 : memref<!tpu.dma_semaphore, #tpu.memory_space<semaphore_mem>>)
    %dma_start3A_182 = arith.constant 15 : i32
    %dma_start3A_183 = arith.constant 7 : i32
    %dma_start3A_184 = arith.constant 0 : i32
    %dma_start3A_185 = arith.constant 0 : i32
    %dma_start3A_186 = tpu.memref_slice %arg7[%dma_start3A_183, %dma_start3A_184, %dma_start3A_185] : memref<8x50x64xf32, #tpu.memory_space<vmem>> -> memref<1x50x64xf32, #tpu.memory_space<vmem>>
    %dma_start3A_187 = tpu.memref_squeeze %dma_start3A_186 : memref<1x50x64xf32, #tpu.memory_space<vmem>> -> memref<50x64xf32, #tpu.memory_space<vmem>>
    %dma_start3A_188 = arith.constant 0 : i32
    %dma_start3A_189 = tpu.memref_slice %arg5[%dma_start3A_182, %dma_start3A_188] : memref<512x50xi32, #tpu.memory_space<vmem>> -> memref<1x50xi32, #tpu.memory_space<vmem>>
    %dma_start3A_190 = tpu.memref_squeeze %dma_start3A_189 : memref<1x50xi32, #tpu.memory_space<vmem>> -> memref<50xi32, #tpu.memory_space<vmem>>
    %dma_start3A_191 = arith.constant 0 : i32
    %dma_start3A_192 = arith.constant 0 : i32
    %dma_start3A_193 = tpu.memref_slice %arg2[%dma_start3A_191, %dma_start3A_192] : memref<1000000x64xf32, #tpu.memory_space<hbm>> -> memref<1000000x64xf32, #tpu.memory_space<hbm>>
    tpu.enqueue_indirect_dma source(%dma_start3A_193 : memref<1000000x64xf32, #tpu.memory_space<hbm>>) target(%dma_start3A_187 : memref<50x64xf32, #tpu.memory_space<vmem>>) offsets(%dma_start3A_190 : memref<50xi32, #tpu.memory_space<vmem>>) semaphore(%arg9 : memref<!tpu.dma_semaphore, #tpu.memory_space<semaphore_mem>>)
    %scan3A = arith.constant 0 : i32
    %scan3A_194 = arith.constant 0 : i32
    %scan3A_195 = arith.constant 32 : i32
    %scan3A_196 = arith.addi %scan3A_194, %scan3A_195 : i32
    %scan3A_197 = arith.constant 1 : i32
    scf.for %scan3A_210 = %scan3A_194 to %scan3A_196 step %scan3A_197  : i32 {
      %mul3A_211 = arith.constant 2 : i32
      %mul3A_212 = arith.muli %mul3A_211, %scan3A_210 : i32
      %add3A_213 = arith.constant 0 : i32
      %add3A_214 = arith.addi %mul3A_212, %add3A_213 : i32
      %dma_wait3A_215 = arith.constant 0 : i32
      %dma_wait3A_216 = arith.constant 0 : i32
      %dma_wait3A_217 = tpu.memref_slice %arg4[%mul3A_2, %dma_wait3A_215, %dma_wait3A_216] : memref<16384x50x64xf32, #tpu.memory_space<hbm>> -> memref<8x50x64xf32, #tpu.memory_space<hbm>>
      %dma_wait3A_218 = arith.constant 0 : i32
      %dma_wait3A_219 = arith.constant 0 : i32
      %dma_wait3A_220 = tpu.memref_slice %arg4[%mul3A_2, %dma_wait3A_218, %dma_wait3A_219] : memref<16384x50x64xf32, #tpu.memory_space<hbm>> -> memref<8x50x64xf32, #tpu.memory_space<hbm>>
      tpu.wait_dma2 semaphore(%arg8 : memref<!tpu.dma_semaphore, #tpu.memory_space<semaphore_mem>>) src(%dma_wait3A_220 : memref<8x50x64xf32, #tpu.memory_space<hbm>>) dst(%arg6 : memref<8x50x64xf32, #tpu.memory_space<vmem>>)
      %mul3A_221 = arith.constant 8 : i32
      %mul3A_222 = arith.muli %add3A_214, %mul3A_221 : i32
      %add3A_223 = arith.addi %mul3A_2, %mul3A_222 : i32
      %dma_start3A_224 = arith.constant 0 : i32
      %dma_start3A_225 = arith.constant 0 : i32
      %dma_start3A_226 = tpu.memref_slice %arg4[%add3A_223, %dma_start3A_224, %dma_start3A_225] : memref<16384x50x64xf32, #tpu.memory_space<hbm>> -> memref<8x50x64xf32, #tpu.memory_space<hbm>>
      %dma_start3A_227 = arith.constant 0 : i32
      %dma_start3A_228 = arith.constant 0 : i32
      %dma_start3A_229 = tpu.memref_slice %arg4[%add3A_223, %dma_start3A_227, %dma_start3A_228] : memref<16384x50x64xf32, #tpu.memory_space<hbm>> -> memref<8x50x64xf32, #tpu.memory_space<hbm>>
      tpu.enqueue_dma source(%arg6 : memref<8x50x64xf32, #tpu.memory_space<vmem>>) target(%dma_start3A_229 : memref<8x50x64xf32, #tpu.memory_space<hbm>>) target_semaphore(%arg10 : memref<!tpu.dma_semaphore, #tpu.memory_space<semaphore_mem>>)
      %add3A_230 = arith.constant 2 : i32
      %add3A_231 = arith.addi %add3A_214, %add3A_230 : i32
      %lt3A = arith.constant 64 : i32
      %lt3A_232 = arith.cmpi slt, %add3A_231, %lt3A : i32
      %convert_element_type3A = arith.extui %lt3A_232 : i1 to i32
      %cond3A = arith.constant 0 : i32
      %cond3A_233 = arith.cmpi ne, %convert_element_type3A, %cond3A : i32
      scf.if %cond3A_233 {
        %dma_wait3A_260 = arith.constant 0 : i32
        %dma_wait3A_261 = arith.constant 0 : i32
        %dma_wait3A_262 = tpu.memref_slice %arg4[%mul3A_2, %dma_wait3A_260, %dma_wait3A_261] : memref<16384x50x64xf32, #tpu.memory_space<hbm>> -> memref<8x50x64xf32, #tpu.memory_space<hbm>>
        %dma_wait3A_263 = arith.constant 0 : i32
        %dma_wait3A_264 = arith.constant 0 : i32
        %dma_wait3A_265 = tpu.memref_slice %arg4[%mul3A_2, %dma_wait3A_263, %dma_wait3A_264] : memref<16384x50x64xf32, #tpu.memory_space<hbm>> -> memref<8x50x64xf32, #tpu.memory_space<hbm>>
        tpu.wait_dma2 semaphore(%arg10 : memref<!tpu.dma_semaphore, #tpu.memory_space<semaphore_mem>>) src(%arg6 : memref<8x50x64xf32, #tpu.memory_space<vmem>>) dst(%dma_wait3A_265 : memref<8x50x64xf32, #tpu.memory_space<hbm>>)
        %add3A_266 = arith.constant 2 : i32
        %add3A_267 = arith.addi %add3A_214, %add3A_266 : i32
        %mul3A_268 = arith.constant 8 : i32
        %mul3A_269 = arith.muli %add3A_267, %mul3A_268 : i32
        %add3A_270 = arith.constant 0 : i32
        %add3A_271 = arith.addi %mul3A_269, %add3A_270 : i32
        %dma_start3A_272 = arith.constant 0 : i32
        %dma_start3A_273 = arith.constant 0 : i32
        %dma_start3A_274 = arith.constant 0 : i32
        %dma_start3A_275 = tpu.memref_slice %arg6[%dma_start3A_272, %dma_start3A_273, %dma_start3A_274] : memref<8x50x64xf32, #tpu.memory_space<vmem>> -> memref<1x50x64xf32, #tpu.memory_space<vmem>>
        %dma_start3A_276 = tpu.memref_squeeze %dma_start3A_275 : memref<1x50x64xf32, #tpu.memory_space<vmem>> -> memref<50x64xf32, #tpu.memory_space<vmem>>
        %dma_start3A_277 = arith.constant 0 : i32
        %dma_start3A_278 = tpu.memref_slice %arg5[%add3A_271, %dma_start3A_277] : memref<512x50xi32, #tpu.memory_space<vmem>> -> memref<1x50xi32, #tpu.memory_space<vmem>>
        %dma_start3A_279 = tpu.memref_squeeze %dma_start3A_278 : memref<1x50xi32, #tpu.memory_space<vmem>> -> memref<50xi32, #tpu.memory_space<vmem>>
        %dma_start3A_280 = arith.constant 0 : i32
        %dma_start3A_281 = arith.constant 0 : i32
        %dma_start3A_282 = tpu.memref_slice %arg2[%dma_start3A_280, %dma_start3A_281] : memref<1000000x64xf32, #tpu.memory_space<hbm>> -> memref<1000000x64xf32, #tpu.memory_space<hbm>>
        tpu.enqueue_indirect_dma source(%dma_start3A_282 : memref<1000000x64xf32, #tpu.memory_space<hbm>>) target(%dma_start3A_276 : memref<50x64xf32, #tpu.memory_space<vmem>>) offsets(%dma_start3A_279 : memref<50xi32, #tpu.memory_space<vmem>>) semaphore(%arg8 : memref<!tpu.dma_semaphore, #tpu.memory_space<semaphore_mem>>)
        %mul3A_283 = arith.constant 8 : i32
        %mul3A_284 = arith.muli %add3A_267, %mul3A_283 : i32
        %add3A_285 = arith.constant 1 : i32
        %add3A_286 = arith.addi %mul3A_284, %add3A_285 : i32
        %dma_start3A_287 = arith.constant 1 : i32
        %dma_start3A_288 = arith.constant 0 : i32
        %dma_start3A_289 = arith.constant 0 : i32
        %dma_start3A_290 = tpu.memref_slice %arg6[%dma_start3A_287, %dma_start3A_288, %dma_start3A_289] : memref<8x50x64xf32, #tpu.memory_space<vmem>> -> memref<1x50x64xf32, #tpu.memory_space<vmem>>
        %dma_start3A_291 = tpu.memref_squeeze %dma_start3A_290 : memref<1x50x64xf32, #tpu.memory_space<vmem>> -> memref<50x64xf32, #tpu.memory_space<vmem>>
        %dma_start3A_292 = arith.constant 0 : i32
        %dma_start3A_293 = tpu.memref_slice %arg5[%add3A_286, %dma_start3A_292] : memref<512x50xi32, #tpu.memory_space<vmem>> -> memref<1x50xi32, #tpu.memory_space<vmem>>
        %dma_start3A_294 = tpu.memref_squeeze %dma_start3A_293 : memref<1x50xi32, #tpu.memory_space<vmem>> -> memref<50xi32, #tpu.memory_space<vmem>>
        %dma_start3A_295 = arith.constant 0 : i32
        %dma_start3A_296 = arith.constant 0 : i32
        %dma_start3A_297 = tpu.memref_slice %arg2[%dma_start3A_295, %dma_start3A_296] : memref<1000000x64xf32, #tpu.memory_space<hbm>> -> memref<1000000x64xf32, #tpu.memory_space<hbm>>
        tpu.enqueue_indirect_dma source(%dma_start3A_297 : memref<1000000x64xf32, #tpu.memory_space<hbm>>) target(%dma_start3A_291 : memref<50x64xf32, #tpu.memory_space<vmem>>) offsets(%dma_start3A_294 : memref<50xi32, #tpu.memory_space<vmem>>) semaphore(%arg8 : memref<!tpu.dma_semaphore, #tpu.memory_space<semaphore_mem>>)
        %mul3A_298 = arith.constant 8 : i32
        %mul3A_299 = arith.muli %add3A_267, %mul3A_298 : i32
        %add3A_300 = arith.constant 2 : i32
        %add3A_301 = arith.addi %mul3A_299, %add3A_300 : i32
        %dma_start3A_302 = arith.constant 2 : i32
        %dma_start3A_303 = arith.constant 0 : i32
        %dma_start3A_304 = arith.constant 0 : i32
        %dma_start3A_305 = tpu.memref_slice %arg6[%dma_start3A_302, %dma_start3A_303, %dma_start3A_304] : memref<8x50x64xf32, #tpu.memory_space<vmem>> -> memref<1x50x64xf32, #tpu.memory_space<vmem>>
        %dma_start3A_306 = tpu.memref_squeeze %dma_start3A_305 : memref<1x50x64xf32, #tpu.memory_space<vmem>> -> memref<50x64xf32, #tpu.memory_space<vmem>>
        %dma_start3A_307 = arith.constant 0 : i32
        %dma_start3A_308 = tpu.memref_slice %arg5[%add3A_301, %dma_start3A_307] : memref<512x50xi32, #tpu.memory_space<vmem>> -> memref<1x50xi32, #tpu.memory_space<vmem>>
        %dma_start3A_309 = tpu.memref_squeeze %dma_start3A_308 : memref<1x50xi32, #tpu.memory_space<vmem>> -> memref<50xi32, #tpu.memory_space<vmem>>
        %dma_start3A_310 = arith.constant 0 : i32
        %dma_start3A_311 = arith.constant 0 : i32
        %dma_start3A_312 = tpu.memref_slice %arg2[%dma_start3A_310, %dma_start3A_311] : memref<1000000x64xf32, #tpu.memory_space<hbm>> -> memref<1000000x64xf32, #tpu.memory_space<hbm>>
        tpu.enqueue_indirect_dma source(%dma_start3A_312 : memref<1000000x64xf32, #tpu.memory_space<hbm>>) target(%dma_start3A_306 : memref<50x64xf32, #tpu.memory_space<vmem>>) offsets(%dma_start3A_309 : memref<50xi32, #tpu.memory_space<vmem>>) semaphore(%arg8 : memref<!tpu.dma_semaphore, #tpu.memory_space<semaphore_mem>>)
        %mul3A_313 = arith.constant 8 : i32
        %mul3A_314 = arith.muli %add3A_267, %mul3A_313 : i32
        %add3A_315 = arith.constant 3 : i32
        %add3A_316 = arith.addi %mul3A_314, %add3A_315 : i32
        %dma_start3A_317 = arith.constant 3 : i32
        %dma_start3A_318 = arith.constant 0 : i32
        %dma_start3A_319 = arith.constant 0 : i32
        %dma_start3A_320 = tpu.memref_slice %arg6[%dma_start3A_317, %dma_start3A_318, %dma_start3A_319] : memref<8x50x64xf32, #tpu.memory_space<vmem>> -> memref<1x50x64xf32, #tpu.memory_space<vmem>>
        %dma_start3A_321 = tpu.memref_squeeze %dma_start3A_320 : memref<1x50x64xf32, #tpu.memory_space<vmem>> -> memref<50x64xf32, #tpu.memory_space<vmem>>
        %dma_start3A_322 = arith.constant 0 : i32
        %dma_start3A_323 = tpu.memref_slice %arg5[%add3A_316, %dma_start3A_322] : memref<512x50xi32, #tpu.memory_space<vmem>> -> memref<1x50xi32, #tpu.memory_space<vmem>>
        %dma_start3A_324 = tpu.memref_squeeze %dma_start3A_323 : memref<1x50xi32, #tpu.memory_space<vmem>> -> memref<50xi32, #tpu.memory_space<vmem>>
        %dma_start3A_325 = arith.constant 0 : i32
        %dma_start3A_326 = arith.constant 0 : i32
        %dma_start3A_327 = tpu.memref_slice %arg2[%dma_start3A_325, %dma_start3A_326] : memref<1000000x64xf32, #tpu.memory_space<hbm>> -> memref<1000000x64xf32, #tpu.memory_space<hbm>>
        tpu.enqueue_indirect_dma source(%dma_start3A_327 : memref<1000000x64xf32, #tpu.memory_space<hbm>>) target(%dma_start3A_321 : memref<50x64xf32, #tpu.memory_space<vmem>>) offsets(%dma_start3A_324 : memref<50xi32, #tpu.memory_space<vmem>>) semaphore(%arg8 : memref<!tpu.dma_semaphore, #tpu.memory_space<semaphore_mem>>)
        %mul3A_328 = arith.constant 8 : i32
        %mul3A_329 = arith.muli %add3A_267, %mul3A_328 : i32
        %add3A_330 = arith.constant 4 : i32
        %add3A_331 = arith.addi %mul3A_329, %add3A_330 : i32
        %dma_start3A_332 = arith.constant 4 : i32
        %dma_start3A_333 = arith.constant 0 : i32
        %dma_start3A_334 = arith.constant 0 : i32
        %dma_start3A_335 = tpu.memref_slice %arg6[%dma_start3A_332, %dma_start3A_333, %dma_start3A_334] : memref<8x50x64xf32, #tpu.memory_space<vmem>> -> memref<1x50x64xf32, #tpu.memory_space<vmem>>
        %dma_start3A_336 = tpu.memref_squeeze %dma_start3A_335 : memref<1x50x64xf32, #tpu.memory_space<vmem>> -> memref<50x64xf32, #tpu.memory_space<vmem>>
        %dma_start3A_337 = arith.constant 0 : i32
        %dma_start3A_338 = tpu.memref_slice %arg5[%add3A_331, %dma_start3A_337] : memref<512x50xi32, #tpu.memory_space<vmem>> -> memref<1x50xi32, #tpu.memory_space<vmem>>
        %dma_start3A_339 = tpu.memref_squeeze %dma_start3A_338 : memref<1x50xi32, #tpu.memory_space<vmem>> -> memref<50xi32, #tpu.memory_space<vmem>>
        %dma_start3A_340 = arith.constant 0 : i32
        %dma_start3A_341 = arith.constant 0 : i32
        %dma_start3A_342 = tpu.memref_slice %arg2[%dma_start3A_340, %dma_start3A_341] : memref<1000000x64xf32, #tpu.memory_space<hbm>> -> memref<1000000x64xf32, #tpu.memory_space<hbm>>
        tpu.enqueue_indirect_dma source(%dma_start3A_342 : memref<1000000x64xf32, #tpu.memory_space<hbm>>) target(%dma_start3A_336 : memref<50x64xf32, #tpu.memory_space<vmem>>) offsets(%dma_start3A_339 : memref<50xi32, #tpu.memory_space<vmem>>) semaphore(%arg8 : memref<!tpu.dma_semaphore, #tpu.memory_space<semaphore_mem>>)
        %mul3A_343 = arith.constant 8 : i32
        %mul3A_344 = arith.muli %add3A_267, %mul3A_343 : i32
        %add3A_345 = arith.constant 5 : i32
        %add3A_346 = arith.addi %mul3A_344, %add3A_345 : i32
        %dma_start3A_347 = arith.constant 5 : i32
        %dma_start3A_348 = arith.constant 0 : i32
        %dma_start3A_349 = arith.constant 0 : i32
        %dma_start3A_350 = tpu.memref_slice %arg6[%dma_start3A_347, %dma_start3A_348, %dma_start3A_349] : memref<8x50x64xf32, #tpu.memory_space<vmem>> -> memref<1x50x64xf32, #tpu.memory_space<vmem>>
        %dma_start3A_351 = tpu.memref_squeeze %dma_start3A_350 : memref<1x50x64xf32, #tpu.memory_space<vmem>> -> memref<50x64xf32, #tpu.memory_space<vmem>>
        %dma_start3A_352 = arith.constant 0 : i32
        %dma_start3A_353 = tpu.memref_slice %arg5[%add3A_346, %dma_start3A_352] : memref<512x50xi32, #tpu.memory_space<vmem>> -> memref<1x50xi32, #tpu.memory_space<vmem>>
        %dma_start3A_354 = tpu.memref_squeeze %dma_start3A_353 : memref<1x50xi32, #tpu.memory_space<vmem>> -> memref<50xi32, #tpu.memory_space<vmem>>
        %dma_start3A_355 = arith.constant 0 : i32
        %dma_start3A_356 = arith.constant 0 : i32
        %dma_start3A_357 = tpu.memref_slice %arg2[%dma_start3A_355, %dma_start3A_356] : memref<1000000x64xf32, #tpu.memory_space<hbm>> -> memref<1000000x64xf32, #tpu.memory_space<hbm>>
        tpu.enqueue_indirect_dma source(%dma_start3A_357 : memref<1000000x64xf32, #tpu.memory_space<hbm>>) target(%dma_start3A_351 : memref<50x64xf32, #tpu.memory_space<vmem>>) offsets(%dma_start3A_354 : memref<50xi32, #tpu.memory_space<vmem>>) semaphore(%arg8 : memref<!tpu.dma_semaphore, #tpu.memory_space<semaphore_mem>>)
        %mul3A_358 = arith.constant 8 : i32
        %mul3A_359 = arith.muli %add3A_267, %mul3A_358 : i32
        %add3A_360 = arith.constant 6 : i32
        %add3A_361 = arith.addi %mul3A_359, %add3A_360 : i32
        %dma_start3A_362 = arith.constant 6 : i32
        %dma_start3A_363 = arith.constant 0 : i32
        %dma_start3A_364 = arith.constant 0 : i32
        %dma_start3A_365 = tpu.memref_slice %arg6[%dma_start3A_362, %dma_start3A_363, %dma_start3A_364] : memref<8x50x64xf32, #tpu.memory_space<vmem>> -> memref<1x50x64xf32, #tpu.memory_space<vmem>>
        %dma_start3A_366 = tpu.memref_squeeze %dma_start3A_365 : memref<1x50x64xf32, #tpu.memory_space<vmem>> -> memref<50x64xf32, #tpu.memory_space<vmem>>
        %dma_start3A_367 = arith.constant 0 : i32
        %dma_start3A_368 = tpu.memref_slice %arg5[%add3A_361, %dma_start3A_367] : memref<512x50xi32, #tpu.memory_space<vmem>> -> memref<1x50xi32, #tpu.memory_space<vmem>>
        %dma_start3A_369 = tpu.memref_squeeze %dma_start3A_368 : memref<1x50xi32, #tpu.memory_space<vmem>> -> memref<50xi32, #tpu.memory_space<vmem>>
        %dma_start3A_370 = arith.constant 0 : i32
        %dma_start3A_371 = arith.constant 0 : i32
        %dma_start3A_372 = tpu.memref_slice %arg2[%dma_start3A_370, %dma_start3A_371] : memref<1000000x64xf32, #tpu.memory_space<hbm>> -> memref<1000000x64xf32, #tpu.memory_space<hbm>>
        tpu.enqueue_indirect_dma source(%dma_start3A_372 : memref<1000000x64xf32, #tpu.memory_space<hbm>>) target(%dma_start3A_366 : memref<50x64xf32, #tpu.memory_space<vmem>>) offsets(%dma_start3A_369 : memref<50xi32, #tpu.memory_space<vmem>>) semaphore(%arg8 : memref<!tpu.dma_semaphore, #tpu.memory_space<semaphore_mem>>)
        %mul3A_373 = arith.constant 8 : i32
        %mul3A_374 = arith.muli %add3A_267, %mul3A_373 : i32
        %add3A_375 = arith.constant 7 : i32
        %add3A_376 = arith.addi %mul3A_374, %add3A_375 : i32
        %dma_start3A_377 = arith.constant 7 : i32
        %dma_start3A_378 = arith.constant 0 : i32
        %dma_start3A_379 = arith.constant 0 : i32
        %dma_start3A_380 = tpu.memref_slice %arg6[%dma_start3A_377, %dma_start3A_378, %dma_start3A_379] : memref<8x50x64xf32, #tpu.memory_space<vmem>> -> memref<1x50x64xf32, #tpu.memory_space<vmem>>
        %dma_start3A_381 = tpu.memref_squeeze %dma_start3A_380 : memref<1x50x64xf32, #tpu.memory_space<vmem>> -> memref<50x64xf32, #tpu.memory_space<vmem>>
        %dma_start3A_382 = arith.constant 0 : i32
        %dma_start3A_383 = tpu.memref_slice %arg5[%add3A_376, %dma_start3A_382] : memref<512x50xi32, #tpu.memory_space<vmem>> -> memref<1x50xi32, #tpu.memory_space<vmem>>
        %dma_start3A_384 = tpu.memref_squeeze %dma_start3A_383 : memref<1x50xi32, #tpu.memory_space<vmem>> -> memref<50xi32, #tpu.memory_space<vmem>>
        %dma_start3A_385 = arith.constant 0 : i32
        %dma_start3A_386 = arith.constant 0 : i32
        %dma_start3A_387 = tpu.memref_slice %arg2[%dma_start3A_385, %dma_start3A_386] : memref<1000000x64xf32, #tpu.memory_space<hbm>> -> memref<1000000x64xf32, #tpu.memory_space<hbm>>
        tpu.enqueue_indirect_dma source(%dma_start3A_387 : memref<1000000x64xf32, #tpu.memory_space<hbm>>) target(%dma_start3A_381 : memref<50x64xf32, #tpu.memory_space<vmem>>) offsets(%dma_start3A_384 : memref<50xi32, #tpu.memory_space<vmem>>) semaphore(%arg8 : memref<!tpu.dma_semaphore, #tpu.memory_space<semaphore_mem>>)
      } else {
      }
      %mul3A_234 = arith.constant 2 : i32
      %mul3A_235 = arith.muli %mul3A_234, %scan3A_210 : i32
      %add3A_236 = arith.constant 1 : i32
      %add3A_237 = arith.addi %mul3A_235, %add3A_236 : i32
      %dma_wait3A_238 = arith.constant 0 : i32
      %dma_wait3A_239 = arith.constant 0 : i32
      %dma_wait3A_240 = tpu.memref_slice %arg4[%mul3A_2, %dma_wait3A_238, %dma_wait3A_239] : memref<16384x50x64xf32, #tpu.memory_space<hbm>> -> memref<8x50x64xf32, #tpu.memory_space<hbm>>
      %dma_wait3A_241 = arith.constant 0 : i32
      %dma_wait3A_242 = arith.constant 0 : i32
      %dma_wait3A_243 = tpu.memref_slice %arg4[%mul3A_2, %dma_wait3A_241, %dma_wait3A_242] : memref<16384x50x64xf32, #tpu.memory_space<hbm>> -> memref<8x50x64xf32, #tpu.memory_space<hbm>>
      tpu.wait_dma2 semaphore(%arg9 : memref<!tpu.dma_semaphore, #tpu.memory_space<semaphore_mem>>) src(%dma_wait3A_243 : memref<8x50x64xf32, #tpu.memory_space<hbm>>) dst(%arg7 : memref<8x50x64xf32, #tpu.memory_space<vmem>>)
      %mul3A_244 = arith.constant 8 : i32
      %mul3A_245 = arith.muli %add3A_237, %mul3A_244 : i32
      %add3A_246 = arith.addi %mul3A_2, %mul3A_245 : i32
      %dma_start3A_247 = arith.constant 0 : i32
      %dma_start3A_248 = arith.constant 0 : i32
      %dma_start3A_249 = tpu.memref_slice %arg4[%add3A_246, %dma_start3A_247, %dma_start3A_248] : memref<16384x50x64xf32, #tpu.memory_space<hbm>> -> memref<8x50x64xf32, #tpu.memory_space<hbm>>
      %dma_start3A_250 = arith.constant 0 : i32
      %dma_start3A_251 = arith.constant 0 : i32
      %dma_start3A_252 = tpu.memref_slice %arg4[%add3A_246, %dma_start3A_250, %dma_start3A_251] : memref<16384x50x64xf32, #tpu.memory_space<hbm>> -> memref<8x50x64xf32, #tpu.memory_space<hbm>>
      tpu.enqueue_dma source(%arg7 : memref<8x50x64xf32, #tpu.memory_space<vmem>>) target(%dma_start3A_252 : memref<8x50x64xf32, #tpu.memory_space<hbm>>) target_semaphore(%arg11 : memref<!tpu.dma_semaphore, #tpu.memory_space<semaphore_mem>>)
      %add3A_253 = arith.constant 2 : i32
      %add3A_254 = arith.addi %add3A_237, %add3A_253 : i32
      %lt3A_255 = arith.constant 64 : i32
      %lt3A_256 = arith.cmpi slt, %add3A_254, %lt3A_255 : i32
      %convert_element_type3A_257 = arith.extui %lt3A_256 : i1 to i32
      %cond3A_258 = arith.constant 0 : i32
      %cond3A_259 = arith.cmpi ne, %convert_element_type3A_257, %cond3A_258 : i32
      scf.if %cond3A_259 {
        %dma_wait3A_260 = arith.constant 0 : i32
        %dma_wait3A_261 = arith.constant 0 : i32
        %dma_wait3A_262 = tpu.memref_slice %arg4[%mul3A_2, %dma_wait3A_260, %dma_wait3A_261] : memref<16384x50x64xf32, #tpu.memory_space<hbm>> -> memref<8x50x64xf32, #tpu.memory_space<hbm>>
        %dma_wait3A_263 = arith.constant 0 : i32
        %dma_wait3A_264 = arith.constant 0 : i32
        %dma_wait3A_265 = tpu.memref_slice %arg4[%mul3A_2, %dma_wait3A_263, %dma_wait3A_264] : memref<16384x50x64xf32, #tpu.memory_space<hbm>> -> memref<8x50x64xf32, #tpu.memory_space<hbm>>
        tpu.wait_dma2 semaphore(%arg11 : memref<!tpu.dma_semaphore, #tpu.memory_space<semaphore_mem>>) src(%arg7 : memref<8x50x64xf32, #tpu.memory_space<vmem>>) dst(%dma_wait3A_265 : memref<8x50x64xf32, #tpu.memory_space<hbm>>)
        %add3A_266 = arith.constant 2 : i32
        %add3A_267 = arith.addi %add3A_237, %add3A_266 : i32
        %mul3A_268 = arith.constant 8 : i32
        %mul3A_269 = arith.muli %add3A_267, %mul3A_268 : i32
        %add3A_270 = arith.constant 0 : i32
        %add3A_271 = arith.addi %mul3A_269, %add3A_270 : i32
        %dma_start3A_272 = arith.constant 0 : i32
        %dma_start3A_273 = arith.constant 0 : i32
        %dma_start3A_274 = arith.constant 0 : i32
        %dma_start3A_275 = tpu.memref_slice %arg7[%dma_start3A_272, %dma_start3A_273, %dma_start3A_274] : memref<8x50x64xf32, #tpu.memory_space<vmem>> -> memref<1x50x64xf32, #tpu.memory_space<vmem>>
        %dma_start3A_276 = tpu.memref_squeeze %dma_start3A_275 : memref<1x50x64xf32, #tpu.memory_space<vmem>> -> memref<50x64xf32, #tpu.memory_space<vmem>>
        %dma_start3A_277 = arith.constant 0 : i32
        %dma_start3A_278 = tpu.memref_slice %arg5[%add3A_271, %dma_start3A_277] : memref<512x50xi32, #tpu.memory_space<vmem>> -> memref<1x50xi32, #tpu.memory_space<vmem>>
        %dma_start3A_279 = tpu.memref_squeeze %dma_start3A_278 : memref<1x50xi32, #tpu.memory_space<vmem>> -> memref<50xi32, #tpu.memory_space<vmem>>
        %dma_start3A_280 = arith.constant 0 : i32
        %dma_start3A_281 = arith.constant 0 : i32
        %dma_start3A_282 = tpu.memref_slice %arg2[%dma_start3A_280, %dma_start3A_281] : memref<1000000x64xf32, #tpu.memory_space<hbm>> -> memref<1000000x64xf32, #tpu.memory_space<hbm>>
        tpu.enqueue_indirect_dma source(%dma_start3A_282 : memref<1000000x64xf32, #tpu.memory_space<hbm>>) target(%dma_start3A_276 : memref<50x64xf32, #tpu.memory_space<vmem>>) offsets(%dma_start3A_279 : memref<50xi32, #tpu.memory_space<vmem>>) semaphore(%arg9 : memref<!tpu.dma_semaphore, #tpu.memory_space<semaphore_mem>>)
        %mul3A_283 = arith.constant 8 : i32
        %mul3A_284 = arith.muli %add3A_267, %mul3A_283 : i32
        %add3A_285 = arith.constant 1 : i32
        %add3A_286 = arith.addi %mul3A_284, %add3A_285 : i32
        %dma_start3A_287 = arith.constant 1 : i32
        %dma_start3A_288 = arith.constant 0 : i32
        %dma_start3A_289 = arith.constant 0 : i32
        %dma_start3A_290 = tpu.memref_slice %arg7[%dma_start3A_287, %dma_start3A_288, %dma_start3A_289] : memref<8x50x64xf32, #tpu.memory_space<vmem>> -> memref<1x50x64xf32, #tpu.memory_space<vmem>>
        %dma_start3A_291 = tpu.memref_squeeze %dma_start3A_290 : memref<1x50x64xf32, #tpu.memory_space<vmem>> -> memref<50x64xf32, #tpu.memory_space<vmem>>
        %dma_start3A_292 = arith.constant 0 : i32
        %dma_start3A_293 = tpu.memref_slice %arg5[%add3A_286, %dma_start3A_292] : memref<512x50xi32, #tpu.memory_space<vmem>> -> memref<1x50xi32, #tpu.memory_space<vmem>>
        %dma_start3A_294 = tpu.memref_squeeze %dma_start3A_293 : memref<1x50xi32, #tpu.memory_space<vmem>> -> memref<50xi32, #tpu.memory_space<vmem>>
        %dma_start3A_295 = arith.constant 0 : i32
        %dma_start3A_296 = arith.constant 0 : i32
        %dma_start3A_297 = tpu.memref_slice %arg2[%dma_start3A_295, %dma_start3A_296] : memref<1000000x64xf32, #tpu.memory_space<hbm>> -> memref<1000000x64xf32, #tpu.memory_space<hbm>>
        tpu.enqueue_indirect_dma source(%dma_start3A_297 : memref<1000000x64xf32, #tpu.memory_space<hbm>>) target(%dma_start3A_291 : memref<50x64xf32, #tpu.memory_space<vmem>>) offsets(%dma_start3A_294 : memref<50xi32, #tpu.memory_space<vmem>>) semaphore(%arg9 : memref<!tpu.dma_semaphore, #tpu.memory_space<semaphore_mem>>)
        %mul3A_298 = arith.constant 8 : i32
        %mul3A_299 = arith.muli %add3A_267, %mul3A_298 : i32
        %add3A_300 = arith.constant 2 : i32
        %add3A_301 = arith.addi %mul3A_299, %add3A_300 : i32
        %dma_start3A_302 = arith.constant 2 : i32
        %dma_start3A_303 = arith.constant 0 : i32
        %dma_start3A_304 = arith.constant 0 : i32
        %dma_start3A_305 = tpu.memref_slice %arg7[%dma_start3A_302, %dma_start3A_303, %dma_start3A_304] : memref<8x50x64xf32, #tpu.memory_space<vmem>> -> memref<1x50x64xf32, #tpu.memory_space<vmem>>
        %dma_start3A_306 = tpu.memref_squeeze %dma_start3A_305 : memref<1x50x64xf32, #tpu.memory_space<vmem>> -> memref<50x64xf32, #tpu.memory_space<vmem>>
        %dma_start3A_307 = arith.constant 0 : i32
        %dma_start3A_308 = tpu.memref_slice %arg5[%add3A_301, %dma_start3A_307] : memref<512x50xi32, #tpu.memory_space<vmem>> -> memref<1x50xi32, #tpu.memory_space<vmem>>
        %dma_start3A_309 = tpu.memref_squeeze %dma_start3A_308 : memref<1x50xi32, #tpu.memory_space<vmem>> -> memref<50xi32, #tpu.memory_space<vmem>>
        %dma_start3A_310 = arith.constant 0 : i32
        %dma_start3A_311 = arith.constant 0 : i32
        %dma_start3A_312 = tpu.memref_slice %arg2[%dma_start3A_310, %dma_start3A_311] : memref<1000000x64xf32, #tpu.memory_space<hbm>> -> memref<1000000x64xf32, #tpu.memory_space<hbm>>
        tpu.enqueue_indirect_dma source(%dma_start3A_312 : memref<1000000x64xf32, #tpu.memory_space<hbm>>) target(%dma_start3A_306 : memref<50x64xf32, #tpu.memory_space<vmem>>) offsets(%dma_start3A_309 : memref<50xi32, #tpu.memory_space<vmem>>) semaphore(%arg9 : memref<!tpu.dma_semaphore, #tpu.memory_space<semaphore_mem>>)
        %mul3A_313 = arith.constant 8 : i32
        %mul3A_314 = arith.muli %add3A_267, %mul3A_313 : i32
        %add3A_315 = arith.constant 3 : i32
        %add3A_316 = arith.addi %mul3A_314, %add3A_315 : i32
        %dma_start3A_317 = arith.constant 3 : i32
        %dma_start3A_318 = arith.constant 0 : i32
        %dma_start3A_319 = arith.constant 0 : i32
        %dma_start3A_320 = tpu.memref_slice %arg7[%dma_start3A_317, %dma_start3A_318, %dma_start3A_319] : memref<8x50x64xf32, #tpu.memory_space<vmem>> -> memref<1x50x64xf32, #tpu.memory_space<vmem>>
        %dma_start3A_321 = tpu.memref_squeeze %dma_start3A_320 : memref<1x50x64xf32, #tpu.memory_space<vmem>> -> memref<50x64xf32, #tpu.memory_space<vmem>>
        %dma_start3A_322 = arith.constant 0 : i32
        %dma_start3A_323 = tpu.memref_slice %arg5[%add3A_316, %dma_start3A_322] : memref<512x50xi32, #tpu.memory_space<vmem>> -> memref<1x50xi32, #tpu.memory_space<vmem>>
        %dma_start3A_324 = tpu.memref_squeeze %dma_start3A_323 : memref<1x50xi32, #tpu.memory_space<vmem>> -> memref<50xi32, #tpu.memory_space<vmem>>
        %dma_start3A_325 = arith.constant 0 : i32
        %dma_start3A_326 = arith.constant 0 : i32
        %dma_start3A_327 = tpu.memref_slice %arg2[%dma_start3A_325, %dma_start3A_326] : memref<1000000x64xf32, #tpu.memory_space<hbm>> -> memref<1000000x64xf32, #tpu.memory_space<hbm>>
        tpu.enqueue_indirect_dma source(%dma_start3A_327 : memref<1000000x64xf32, #tpu.memory_space<hbm>>) target(%dma_start3A_321 : memref<50x64xf32, #tpu.memory_space<vmem>>) offsets(%dma_start3A_324 : memref<50xi32, #tpu.memory_space<vmem>>) semaphore(%arg9 : memref<!tpu.dma_semaphore, #tpu.memory_space<semaphore_mem>>)
        %mul3A_328 = arith.constant 8 : i32
        %mul3A_329 = arith.muli %add3A_267, %mul3A_328 : i32
        %add3A_330 = arith.constant 4 : i32
        %add3A_331 = arith.addi %mul3A_329, %add3A_330 : i32
        %dma_start3A_332 = arith.constant 4 : i32
        %dma_start3A_333 = arith.constant 0 : i32
        %dma_start3A_334 = arith.constant 0 : i32
        %dma_start3A_335 = tpu.memref_slice %arg7[%dma_start3A_332, %dma_start3A_333, %dma_start3A_334] : memref<8x50x64xf32, #tpu.memory_space<vmem>> -> memref<1x50x64xf32, #tpu.memory_space<vmem>>
        %dma_start3A_336 = tpu.memref_squeeze %dma_start3A_335 : memref<1x50x64xf32, #tpu.memory_space<vmem>> -> memref<50x64xf32, #tpu.memory_space<vmem>>
        %dma_start3A_337 = arith.constant 0 : i32
        %dma_start3A_338 = tpu.memref_slice %arg5[%add3A_331, %dma_start3A_337] : memref<512x50xi32, #tpu.memory_space<vmem>> -> memref<1x50xi32, #tpu.memory_space<vmem>>
        %dma_start3A_339 = tpu.memref_squeeze %dma_start3A_338 : memref<1x50xi32, #tpu.memory_space<vmem>> -> memref<50xi32, #tpu.memory_space<vmem>>
        %dma_start3A_340 = arith.constant 0 : i32
        %dma_start3A_341 = arith.constant 0 : i32
        %dma_start3A_342 = tpu.memref_slice %arg2[%dma_start3A_340, %dma_start3A_341] : memref<1000000x64xf32, #tpu.memory_space<hbm>> -> memref<1000000x64xf32, #tpu.memory_space<hbm>>
        tpu.enqueue_indirect_dma source(%dma_start3A_342 : memref<1000000x64xf32, #tpu.memory_space<hbm>>) target(%dma_start3A_336 : memref<50x64xf32, #tpu.memory_space<vmem>>) offsets(%dma_start3A_339 : memref<50xi32, #tpu.memory_space<vmem>>) semaphore(%arg9 : memref<!tpu.dma_semaphore, #tpu.memory_space<semaphore_mem>>)
        %mul3A_343 = arith.constant 8 : i32
        %mul3A_344 = arith.muli %add3A_267, %mul3A_343 : i32
        %add3A_345 = arith.constant 5 : i32
        %add3A_346 = arith.addi %mul3A_344, %add3A_345 : i32
        %dma_start3A_347 = arith.constant 5 : i32
        %dma_start3A_348 = arith.constant 0 : i32
        %dma_start3A_349 = arith.constant 0 : i32
        %dma_start3A_350 = tpu.memref_slice %arg7[%dma_start3A_347, %dma_start3A_348, %dma_start3A_349] : memref<8x50x64xf32, #tpu.memory_space<vmem>> -> memref<1x50x64xf32, #tpu.memory_space<vmem>>
        %dma_start3A_351 = tpu.memref_squeeze %dma_start3A_350 : memref<1x50x64xf32, #tpu.memory_space<vmem>> -> memref<50x64xf32, #tpu.memory_space<vmem>>
        %dma_start3A_352 = arith.constant 0 : i32
        %dma_start3A_353 = tpu.memref_slice %arg5[%add3A_346, %dma_start3A_352] : memref<512x50xi32, #tpu.memory_space<vmem>> -> memref<1x50xi32, #tpu.memory_space<vmem>>
        %dma_start3A_354 = tpu.memref_squeeze %dma_start3A_353 : memref<1x50xi32, #tpu.memory_space<vmem>> -> memref<50xi32, #tpu.memory_space<vmem>>
        %dma_start3A_355 = arith.constant 0 : i32
        %dma_start3A_356 = arith.constant 0 : i32
        %dma_start3A_357 = tpu.memref_slice %arg2[%dma_start3A_355, %dma_start3A_356] : memref<1000000x64xf32, #tpu.memory_space<hbm>> -> memref<1000000x64xf32, #tpu.memory_space<hbm>>
        tpu.enqueue_indirect_dma source(%dma_start3A_357 : memref<1000000x64xf32, #tpu.memory_space<hbm>>) target(%dma_start3A_351 : memref<50x64xf32, #tpu.memory_space<vmem>>) offsets(%dma_start3A_354 : memref<50xi32, #tpu.memory_space<vmem>>) semaphore(%arg9 : memref<!tpu.dma_semaphore, #tpu.memory_space<semaphore_mem>>)
        %mul3A_358 = arith.constant 8 : i32
        %mul3A_359 = arith.muli %add3A_267, %mul3A_358 : i32
        %add3A_360 = arith.constant 6 : i32
        %add3A_361 = arith.addi %mul3A_359, %add3A_360 : i32
        %dma_start3A_362 = arith.constant 6 : i32
        %dma_start3A_363 = arith.constant 0 : i32
        %dma_start3A_364 = arith.constant 0 : i32
        %dma_start3A_365 = tpu.memref_slice %arg7[%dma_start3A_362, %dma_start3A_363, %dma_start3A_364] : memref<8x50x64xf32, #tpu.memory_space<vmem>> -> memref<1x50x64xf32, #tpu.memory_space<vmem>>
        %dma_start3A_366 = tpu.memref_squeeze %dma_start3A_365 : memref<1x50x64xf32, #tpu.memory_space<vmem>> -> memref<50x64xf32, #tpu.memory_space<vmem>>
        %dma_start3A_367 = arith.constant 0 : i32
        %dma_start3A_368 = tpu.memref_slice %arg5[%add3A_361, %dma_start3A_367] : memref<512x50xi32, #tpu.memory_space<vmem>> -> memref<1x50xi32, #tpu.memory_space<vmem>>
        %dma_start3A_369 = tpu.memref_squeeze %dma_start3A_368 : memref<1x50xi32, #tpu.memory_space<vmem>> -> memref<50xi32, #tpu.memory_space<vmem>>
        %dma_start3A_370 = arith.constant 0 : i32
        %dma_start3A_371 = arith.constant 0 : i32
        %dma_start3A_372 = tpu.memref_slice %arg2[%dma_start3A_370, %dma_start3A_371] : memref<1000000x64xf32, #tpu.memory_space<hbm>> -> memref<1000000x64xf32, #tpu.memory_space<hbm>>
        tpu.enqueue_indirect_dma source(%dma_start3A_372 : memref<1000000x64xf32, #tpu.memory_space<hbm>>) target(%dma_start3A_366 : memref<50x64xf32, #tpu.memory_space<vmem>>) offsets(%dma_start3A_369 : memref<50xi32, #tpu.memory_space<vmem>>) semaphore(%arg9 : memref<!tpu.dma_semaphore, #tpu.memory_space<semaphore_mem>>)
        %mul3A_373 = arith.constant 8 : i32
        %mul3A_374 = arith.muli %add3A_267, %mul3A_373 : i32
        %add3A_375 = arith.constant 7 : i32
        %add3A_376 = arith.addi %mul3A_374, %add3A_375 : i32
        %dma_start3A_377 = arith.constant 7 : i32
        %dma_start3A_378 = arith.constant 0 : i32
        %dma_start3A_379 = arith.constant 0 : i32
        %dma_start3A_380 = tpu.memref_slice %arg7[%dma_start3A_377, %dma_start3A_378, %dma_start3A_379] : memref<8x50x64xf32, #tpu.memory_space<vmem>> -> memref<1x50x64xf32, #tpu.memory_space<vmem>>
        %dma_start3A_381 = tpu.memref_squeeze %dma_start3A_380 : memref<1x50x64xf32, #tpu.memory_space<vmem>> -> memref<50x64xf32, #tpu.memory_space<vmem>>
        %dma_start3A_382 = arith.constant 0 : i32
        %dma_start3A_383 = tpu.memref_slice %arg5[%add3A_376, %dma_start3A_382] : memref<512x50xi32, #tpu.memory_space<vmem>> -> memref<1x50xi32, #tpu.memory_space<vmem>>
        %dma_start3A_384 = tpu.memref_squeeze %dma_start3A_383 : memref<1x50xi32, #tpu.memory_space<vmem>> -> memref<50xi32, #tpu.memory_space<vmem>>
        %dma_start3A_385 = arith.constant 0 : i32
        %dma_start3A_386 = arith.constant 0 : i32
        %dma_start3A_387 = tpu.memref_slice %arg2[%dma_start3A_385, %dma_start3A_386] : memref<1000000x64xf32, #tpu.memory_space<hbm>> -> memref<1000000x64xf32, #tpu.memory_space<hbm>>
        tpu.enqueue_indirect_dma source(%dma_start3A_387 : memref<1000000x64xf32, #tpu.memory_space<hbm>>) target(%dma_start3A_381 : memref<50x64xf32, #tpu.memory_space<vmem>>) offsets(%dma_start3A_384 : memref<50xi32, #tpu.memory_space<vmem>>) semaphore(%arg9 : memref<!tpu.dma_semaphore, #tpu.memory_space<semaphore_mem>>)
      } else {
      }
    }
    %scan3A_198 = arith.constant 32 : i32
    %dma_wait3A = arith.constant 0 : i32
    %dma_wait3A_199 = arith.constant 0 : i32
    %dma_wait3A_200 = tpu.memref_slice %arg4[%mul3A_2, %dma_wait3A, %dma_wait3A_199] : memref<16384x50x64xf32, #tpu.memory_space<hbm>> -> memref<8x50x64xf32, #tpu.memory_space<hbm>>
    %dma_wait3A_201 = arith.constant 0 : i32
    %dma_wait3A_202 = arith.constant 0 : i32
    %dma_wait3A_203 = tpu.memref_slice %arg4[%mul3A_2, %dma_wait3A_201, %dma_wait3A_202] : memref<16384x50x64xf32, #tpu.memory_space<hbm>> -> memref<8x50x64xf32, #tpu.memory_space<hbm>>
    tpu.wait_dma2 semaphore(%arg10 : memref<!tpu.dma_semaphore, #tpu.memory_space<semaphore_mem>>) src(%arg6 : memref<8x50x64xf32, #tpu.memory_space<vmem>>) dst(%dma_wait3A_203 : memref<8x50x64xf32, #tpu.memory_space<hbm>>)
    %dma_wait3A_204 = arith.constant 0 : i32
    %dma_wait3A_205 = arith.constant 0 : i32
    %dma_wait3A_206 = tpu.memref_slice %arg4[%mul3A_2, %dma_wait3A_204, %dma_wait3A_205] : memref<16384x50x64xf32, #tpu.memory_space<hbm>> -> memref<8x50x64xf32, #tpu.memory_space<hbm>>
    %dma_wait3A_207 = arith.constant 0 : i32
    %dma_wait3A_208 = arith.constant 0 : i32
    %dma_wait3A_209 = tpu.memref_slice %arg4[%mul3A_2, %dma_wait3A_207, %dma_wait3A_208] : memref<16384x50x64xf32, #tpu.memory_space<hbm>> -> memref<8x50x64xf32, #tpu.memory_space<hbm>>
    tpu.wait_dma2 semaphore(%arg11 : memref<!tpu.dma_semaphore, #tpu.memory_space<semaphore_mem>>) src(%arg7 : memref<8x50x64xf32, #tpu.memory_space<vmem>>) dst(%dma_wait3A_209 : memref<8x50x64xf32, #tpu.memory_space<hbm>>)
    return
  }
}

</mosaic_0001>

<sc_bundles>
// kernel: kernel.3.cloned.1.call-start
scs
__scs_entry_jumppad:
0x0: {  	(pc) =	sbr.rel $0x88, $3  }
0x1: {  	(tag) =	ssettag $0x0;
	lr =	simm.s32 $0x1  }
0x2: {  	[smem:$0x3F9F] =	sst lr;
	_ =	strace $0xD0000000  }
0x3: {  	_ = 	snop  }
0x4: {  	_ = 	snop  }
0x5: {  	_ = 	snop  }
0x6: {  	_ = 	snop  }
0x7: {  	_ = 	snop  }
__scs_overlays_trampoline_lowered:
0x8: {  	[smem:$0x3FAE] =	sst s0  }
0x9: {  	[smem:$0x3FAF] =	sst s1  }
0xa: {  	[smem:$0x3FB0] =	sst s2  }
0xb: {  	[smem:$0x3FB1] =	sst s3  }
0xc: {  	[smem:$0x3FB2] =	sst s4  }
0xd: {  	[smem:$0x3FB3] =	sst s5  }
0xe: {  	[smem:$0x3FB4] =	sst s6  }
0xf: {  	[smem:$0x3FB5] =	sst s7  }
0x10: {  	[smem:$0x3FB6] =	sst s8  }
0x11: {  	[smem:$0x3FB7] =	sst s9;
	s0 =	simm.s32 @!p0 $0x0  }
0x12: {  	s1 =	sld [smem:$0x3F9D];
	s0 =	simm.s32 @p0 $0x1  }
0x13: {  	[smem:$0x3FB8] =	sst s0;
	s0 =	simm.s32 @!p1 $0x0  }
0x14: {  	s2 =	sld [smem:$0x3F9C];
	s0 =	simm.s32 @p1 $0x1  }
0x15: {  	[smem:$0x3FB9] =	sst s0;
	s0 =	simm.s32 @!p2 $0x0  }
0x16: {  	s3 =	sld [smem:$0x3FDB];
	s0 =	simm.s32 @p2 $0x1  }
0x17: {  	s4 =	simm.s32 $0x1BF5;
	[smem:$0x3FBB] =	sst s0  }
0x18: {  	s0 =	sld [smem:$0x3F9E];
	_ =	swait.ge [sflag:s4], $0x0  }
0x19: {  	s7 =	sld [smem:$0x3F9F]  }
0x1a: {  	s8 =	sadd.s32 $0xFFFFE003, lr  }
0x1b: {  	s9 =	sadd.s32 $0xFFFFFEF7, lr;
	s5 =	simm.s32 $0xFFFFFFFF;
	p2 =	slt.u32 s8, $0xFFFFF086  }
0x1c: {  	p1 =	slt.u32 s9, $0xF7A;
	s5 =	simm.s32 @!p2 $0x0  }
0x1d: {  	s5 =	simm.s32 @p1 $0x1;
	p0 =	seq.s32 s7, s2  }
0x1e: {  	s7 =	smul.u32 @!p0 $0xF7A, s2;
	p2 =	seq.s32 @!p0 s5, $0x0  }
0x1f: {  	s9 =	smul.u32 $0xF7A, s1;
	s8 =	simm.s32 @!p0 $0x1BF5;
	p2 =	por !p2, p0  }
0x20: {  	[sflag:s8] =	ssyncset.s32 @!p0 $0xFFFFF086;
	s6 =	sadd.s32 @!p0 s3, s7;
	s7 =	simm.s32 @!p0 $0x108  }
0x21: {  	s3 =	sadd.s32 s3, s9;
	s6 =	sadd.s32 @!p0 $0x88, s6;
	s7 =	simm.s32 @p2 $0x1082  }
0x22: {  	[simem:s7], [sflag:s8] =	dma.local @!p0 [hbm:s6], $0xF7A  }
0x23: {  	s9 =	sor.u32 $0xD0000000, s2;
	s6 =	simm.s32 $0x108;
	_ =	swait.ge @!p0 [sflag:s8], $0x0  }
0x24: {  	s3 =	sadd.s32 $0x88, s3;
	s6 =	simm.s32 @!p1 $0x1082;
	[sflag:s4] =	ssyncset.s32 $0xFFFFF086  }
0x25: {  	[simem:s6], [sflag:s4] =	dma.local [hbm:s3], $0xF7A  }
0x26: {  	[smem:$0x3F9F] =	sst s1;
	(tag) =	ssettag s2;
	_ =	strace s9  }
0x27: {  	s1 =	sld [smem:$0x3FAF]  }
0x28: {  	s2 =	sld [smem:$0x3FB0]  }
0x29: {  	s4 =	sld [smem:$0x3FB2]  }
0x2a: {  	p0 =	seq.s32 s5, $0x0;
	s5 =	sld [smem:$0x3FB3]  }
0x2b: {  	s6 =	sld [smem:$0x3FB4]  }
0x2c: {  	s7 =	sld [smem:$0x3FB5]  }
0x2d: {  	s3 =	simm.s32 $0x108;
	s8 =	sld [smem:$0x3FB6]  }
0x2e: {  	s3 =	simm.s32 @!p0 $0x1082;
	s9 =	sld [smem:$0x3FB7]  }
0x2f: {  	lr =	sadd.s32 s0, s3;
	s0 =	sld [smem:$0x3FAE]  }
0x30: {  	s3 =	sld [smem:$0x3FB1]  }
0x31: {  	[smem:$0x3FBA] =	sst s10  }
0x32: {  	s10 =	sld [smem:$0x3FB8];
	_ =	sdelay $0x3  }
0x33: {  	p0 =	seq.s32 s10, $0x1;
	s10 =	sld [smem:$0x3FBA];
	_ =	sdelay $0x3  }
0x34: {  	[smem:$0x3FBA] =	sst s10  }
0x35: {  	s10 =	sld [smem:$0x3FB9];
	_ =	sdelay $0x3  }
0x36: {  	p1 =	seq.s32 s10, $0x1;
	s10 =	sld [smem:$0x3FBA];
	_ =	sdelay $0x3  }
0x37: {  	[smem:$0x3FBA] =	sst s10  }
0x38: {  	s10 =	sld [smem:$0x3FBB]  }
0x39: {  	_ = 	snop;
	(pc) =	sbr.ind lr, $3  }
0x3a: {  	_ = 	snop  }
0x3b: {  	_ = 	snop  }
0x3c: {  	p2 =	seq.s32 s10, $0x1;
	s10 =	sld [smem:$0x3FBA]  }
0x3d: {  	_ =	shalt  }
0x3e: {  	_ =	shalt  }
0x3f: {  	_ =	shalt  }
0x40: {  	_ =	shalt  }
0x41: {  	_ =	shalt  }
0x42: {  	_ =	shalt  }
0x43: {  	_ =	shalt  }
0x44: {  	_ =	shalt  }
0x45: {  	_ =	shalt  }
0x46: {  	_ =	shalt  }
0x47: {  	_ =	shalt  }
0x48: {  	_ =	shalt  }
0x49: {  	_ =	shalt  }
0x4a: {  	_ =	shalt  }
0x4b: {  	_ =	shalt  }
0x4c: {  	_ =	shalt  }
0x4d: {  	_ =	shalt  }
0x4e: {  	_ =	shalt  }
0x4f: {  	_ =	shalt  }
0x50: {  	_ =	shalt  }
0x51: {  	_ =	shalt  }
0x52: {  	_ =	shalt  }
0x53: {  	_ =	shalt  }
0x54: {  	_ =	shalt  }
0x55: {  	_ =	shalt  }
0x56: {  	_ =	shalt  }
0x57: {  	_ =	shalt  }
0x58: {  	_ =	shalt  }
0x59: {  	_ =	shalt  }
0x5a: {  	_ =	shalt  }
0x5b: {  	_ =	shalt  }
0x5c: {  	_ =	shalt  }
0x5d: {  	_ =	shalt  }
0x5e: {  	_ =	shalt  }
0x5f: {  	_ =	shalt  }
0x60: {  	_ =	shalt  }
0x61: {  	_ =	shalt  }
0x62: {  	_ =	shalt  }
0x63: {  	_ =	shalt  }
0x64: {  	_ =	shalt  }
0x65: {  	_ =	shalt  }
0x66: {  	_ =	shalt  }
0x67: {  	_ =	shalt  }
0x68: {  	_ =	shalt  }
0x69: {  	_ =	shalt  }
0x6a: {  	_ =	shalt  }
0x6b: {  	_ =	shalt  }
0x6c: {  	_ =	shalt  }
0x6d: {  	_ =	shalt  }
0x6e: {  	_ =	shalt  }
0x6f: {  	_ =	shalt  }
0x70: {  	_ =	shalt  }
0x71: {  	_ =	shalt  }
0x72: {  	_ =	shalt  }
0x73: {  	_ =	shalt  }
0x74: {  	_ =	shalt  }
0x75: {  	_ =	shalt  }
0x76: {  	_ =	shalt  }
0x77: {  	_ =	shalt  }
0x78: {  	_ =	shalt  }
0x79: {  	_ =	shalt  }
0x7a: {  	_ =	shalt  }
0x7b: {  	_ =	shalt  }
0x7c: {  	_ =	shalt  }
0x7d: {  	_ =	shalt  }
0x7e: {  	_ =	shalt  }
0x7f: {  	_ =	shalt  }
0x80: {  	_ =	shalt  }
0x81: {  	_ =	shalt  }
0x82: {  	_ =	shalt  }
0x83: {  	_ =	shalt  }
0x84: {  	_ =	shalt  }
0x85: {  	_ =	shalt  }
0x86: {  	_ =	shalt  }
0x87: {  	_ =	shalt  }
.Lfunc_end0:
.L_simem_size_0:
called_computation.1_lowered:
.L_overlay_start_0:
0x88: {  	s2 =	sld [smem:$0x3FD9]  }
0x89: {  	s3 =	sld [smem:$0x3FFE];
	_ =	sdelay $0x1  }
0x8a: {  	s1 =	srdreg.scid  }
0x8b: {  	s0 =	sand.u32 $0x1, s1  }
0x8c: {  	s17 =	sshll.u32 s0, $0xA;
	s2 =	sadd.s32 s3, s2  }
0x8d: {  	s2 =	sadd.s32 s2, s17  }
0x8e: {  	[smem:$0x3FC6] =	sst s2  }
0x8f: {  	_ = 	snop  }
0x90: {  	s2 =	sld [smem:$0x3FD0];
	(tm) =	ssettm $0x1  }
0x91: {  	s18 =	sld [smem:$0x3FFB];
	_ =	sdelay $0x3  }
0x92: {  	_ =	strace s18  }
0x93: {  	s3 =	sld [smem:$0x3FFC];
	_ =	sdelay $0x3  }
0x94: {  	_ =	strace s3  }
0x95: {  	s3 =	sld [smem:$0x3FFD];
	_ =	sdelay $0x3  }
0x96: {  	_ =	strace s3  }
0x97: {  	_ =	strace $0x8FFFFFFF  }
0x98: {  	s19 =	sld [smem:$0x3FDB];
	_ =	sdelay $0x1  }
0x99: {  	s4 =	simm.s32 $_scs_section_size  }
0x9a: {  	s5 =	simm.s32 $_size__tile_overlayer_lowered;
	s6 =	simm.s32 $_tile_overlayer_lowered  }
0x9b: {  	s22 =	simm.s32 $0x1BFF;
	s21 =	sshll.u32 s6, $0x1;
	s3 =	sadd.s32 s4, s19  }
0x9c: {  	s7 =	simm.s32 $0x0;
	s20 =	sshll.u32 s5, $0x1;
	s5 =	sadd.s32 s21, s3  }
0x9d: {  	[timem:s7], [sflag:s22] =	dma.local [hbm:s5], s20  }
0x9e: {  	_ =	swait.ge [sflag:s22], s20  }
0x9f: {  	s4 =	ssub.s32 $0x0, s20;
	[sflag:s22] =	ssyncset.done $0x0  }
0xa0: {  	[sflag:s22] =	ssyncadd.s32 s4;
	_ =	sdelay $0x1  }
0xa1: {  	s23 =	simm.s32 $0x1B8B  }
0xa2: {  	_ =	swait.ge [sflag:s23], $0x1  }
0xa3: {  	[sflag:s23] =	ssyncset.done $0x0  }
0xa4: {  	s25 =	simm.s32 $0x1B8E;
	s24 =	sld [smem:$0x3FFE];
	[sflag:s23] =	ssyncadd.s32 $0xFFFFFFFF  }
0xa5: {  	s26 =	simm.s32 $execute0_lowered;
	[smem:$0x3FD2] =	sst s25  }
0xa6: {  	s5 =	sshll.u32 s26, $0x1;
	_ =	strace $0x80000046;
	[dreg:$0x1] =	wrdreg $0xFFFFFFFF  }
0xa7: {  	s28 =	simm.s32 $_size_execute0_lowered;
	s3 =	sadd.s32 s3, s5;
	[dreg:$0x0] =	wrdreg $0x0  }
0xa8: {  	s5 =	sshll.u32 s28, $0x1;
	[dreg:$0x2] =	wrdreg s3  }
0xa9: {  	[dreg:$0x3] =	wrdreg s5  }
0xaa: {  	[dreg:$0x4] =	wrdreg $0xC0  }
0xab: {  	_ =	task [dreg:s7], $0x5FFFF  }
0xac: {  	[dreg:$0x1] =	wrdreg $0xFFFFFFFF  }
0xad: {  	[dreg:$0x0] =	wrdreg $0x60  }
0xae: {  	[dreg:$0x2] =	wrdreg s24  }
0xaf: {  	[dreg:$0x3] =	wrdreg s2  }
0xb0: {  	[dreg:$0x4] =	wrdreg $0x9  }
0xb1: {  	_ =	task.clear_ibuf [dreg:s7], $0x5FFFF;
	_ =	strace $0x90000046  }
0xb2: {  	s29 =	simm.s32 $0x9;
	_ =	strace $0x80000048  }
0xb3: {  	_ =	swait.ge [sflag:s29], $0x1  }
0xb4: {  	[sflag:s29] =	ssyncadd.s32 $0xFFFFFFFF  }
0xb5: {  	_ =	strace $0x90000048  }
0xb6: {  	_ =	sfence  }
0xb7: {  	s30 =	sld [smem:$0x0];
	_ =	sdelay $0x2  }
0xb8: {  	s31 =	sshll.u32 s1, $0xD;
	s1 =	sshrl.u32 s1, $0x2  }
0xb9: {  	s3 =	sand.u32 $0x4000, s31;
	s1 =	sadd.s32 s1, s30  }
0xba: {  	s0 =	sor.u32 s3, s0;
	s1 =	sshll.u32 s1, $0x11  }
0xbb: {  	s0 =	sor.u32 s1, s0  }
0xbc: {  	s0 =	sadd.s32 $0x8F2B, s0  }
0xbd: {  	[sflag:s0] =	ssyncadd.remote.s32 $0x1  }
0xbe: {  	_ =	sfence.sel $0xFFFF  }
0xbf: {  	[dreg:$0x0] =	wrdreg $0xFFFFFFFF;
	(pc) =	sbr.abs _section_cstart, $3  }
0xc0: {  	[dreg:$0x1] =	wrdreg $0xFFFFFFFF  }
0xc1: {  	_ =	task.clear_ibuf [dreg:s7], $0x2FFFF;
	_ =	strace $0x9FFFFFFF  }
0xc2: {  	(tm) =	ssettm $0x7FFFFFFF  }
0xc3: {  	_ =	shalt  }
tec
execute0_lowered:
.L_overlay_start_1:
0x0: {  	(tag) =	ssettag $0x1  }
0x1: {  	s0 =	srdreg.scid;
	s1 =	rddreg [dreg:$0x0]  }
0x2: {  	s8 =	stileid.u32;
	s4 =	rddreg [dreg:$0x1];
	s2 =	simm.s32 $0x0  }
0x3: {  	s9 =	simm.s32 $0x5;
	s10 =	simm.s32 $0x32;
	s11 =	simm.s32 $0x7000  }
0x4: {  	s13 =	simm.s32 $0x7C80;
	s15 =	simm.s32 $0x8900;
	s17 =	simm.s32 $0x9580  }
0x5: {  	s19 =	simm.s32 $0xA200;
	s21 =	simm.s32 $0xAE80;
	s23 =	simm.s32 $0xBB00  }
0x6: {  	s28 =	simm.s32 $0xD400;
	s30 =	simm.s32 $0xE080;
	s12 =	simm.s32 $0xF980  }
0x7: {  	s16 =	simm.s32 $0x10600;
	s20 =	simm.s32 $0x11280;
	s29 =	simm.s32 $0x12B80  }
0x8: {  	s31 =	simm.s32 $0x1;
	s14 =	simm.s32 $0x2;
	s0 =	sand.u32 $0x1, s0  }
0x9: {  	s3 =	sshll.u32 s8, $0xA;
	s25 =	smul.u32 $0x64000, s8;
	s5 =	sshll.u32 s0, $0x9  }
0xa: {  	s7 =	ssub.s32 $0x2, s0;
	s0 =	smul.u32 $0x32000, s0;
	s5 =	sor.u32 s5, s3  }
0xb: {  	s18 =	simm.s32 $0x4;
	[smem:$0x7FF] =	sst s2;
	s6 =	smul.u32 $0x7, s5  }
0xc: {  	s22 =	simm.s32 $0x0;
	_ =	strace $0x80000047;
	s5 =	smul.u32 $0x190, s5  }
0xd: {  	s3 =	sadd.s32 $0xF42E00, s1;
	s24 =	sshrl.u32 s7, $0x1;
	s1 =	sadd.s32 s6, s1  }
0xe: {  	s6 =	ssub.s32 s7, s24;
	s5 =	sadd.s32 s4, s5;
	s1 =	sadd.s32 $0xA00, s1  }
0xf: {  	s24 =	simm.s32 $0x11F00;
	s6 =	smax.u32 s6, $0x1;
	[dreg:$0x3] =	wrdreg s1  }
0x10: {  	s26 =	sadd.s32 $0x30700, s5;
	s7 =	sadd.s32 $0x31380, s5;
	[dreg:$0x4] =	wrdreg s6  }
0x11: {  	[dreg:$0x5] =	wrdreg s26;
	s1 =	sadd.s32 s25, s4;
	s25 =	simm.s32 $0xC780  }
0x12: {  	s8 =	sadd.s32 s0, s1;
	s1 =	simm.s32 $0xED00;
	s0 =	simm.s32 $0x3  }
.LBB2_1:
0x13: {  	s4 =	rddreg [dreg:$0x3]  }
0x14: {  	[tilespmem:s2], [sflag:$0x5] =	stream.linear.gather [hbm4b:s4+s2], $0x7000, $0x38;
	[tilespmem:$0x13800] =	vst v63  }
0x15: {  	_ =	swait.ge [sflag:s9], $0x7000  }
0x16: {  	[sflag:s9] =	ssyncset.done $0x0  }
0x17: {  	[sflag:s9] =	ssyncadd.s32 $0xFFFF9000  }
0x18: {  	[tilespmem:s11], [sflag:$0x1] =	stream.indirect.gather [hbm4b:s3+s10], $0x40, s2, s10, $0xb8;
	[tilespmem:$0x13800] =	vst v63  }
0x19: {  	s26 =	simm.s32 $0x38  }
0x1a: {  	[tilespmem:s13], [sflag:$0x1] =	stream.indirect.gather [hbm4b:s3+s10], $0x40, s26, s10, $0xb8;
	[tilespmem:$0x13800] =	vst v63  }
0x1b: {  	s5 =	simm.s32 $0x70  }
0x1c: {  	[tilespmem:s15], [sflag:$0x1] =	stream.indirect.gather [hbm4b:s3+s10], $0x40, s5, s10, $0xb8;
	[tilespmem:$0x13800] =	vst v63  }
0x1d: {  	s6 =	simm.s32 $0xA8  }
0x1e: {  	[tilespmem:s17], [sflag:$0x1] =	stream.indirect.gather [hbm4b:s3+s10], $0x40, s6, s10, $0xb8;
	[tilespmem:$0x13800] =	vst v63  }
0x1f: {  	s26 =	simm.s32 $0xE0  }
0x20: {  	[tilespmem:s19], [sflag:$0x1] =	stream.indirect.gather [hbm4b:s3+s10], $0x40, s26, s10, $0xb8;
	[tilespmem:$0x13800] =	vst v63  }
0x21: {  	s5 =	simm.s32 $0x118  }
0x22: {  	[tilespmem:s21], [sflag:$0x1] =	stream.indirect.gather [hbm4b:s3+s10], $0x40, s5, s10, $0xb8;
	[tilespmem:$0x13800] =	vst v63  }
0x23: {  	s6 =	simm.s32 $0x150  }
0x24: {  	[tilespmem:s23], [sflag:$0x1] =	stream.indirect.gather [hbm4b:s3+s10], $0x40, s6, s10, $0xb8;
	[tilespmem:$0x13800] =	vst v63  }
0x25: {  	s26 =	simm.s32 $0x188  }
0x26: {  	[tilespmem:s25], [sflag:$0x1] =	stream.indirect.gather [hbm4b:s3+s10], $0x40, s26, s10, $0xb8;
	[tilespmem:$0x13800] =	vst v63  }
0x27: {  	s5 =	simm.s32 $0x1C0  }
0x28: {  	[tilespmem:s28], [sflag:$0x2] =	stream.indirect.gather [hbm4b:s3+s10], $0x40, s5, s10, $0xb8;
	[tilespmem:$0x13800] =	vst v63  }
0x29: {  	s6 =	simm.s32 $0x1F8  }
0x2a: {  	[tilespmem:s30], [sflag:$0x2] =	stream.indirect.gather [hbm4b:s3+s10], $0x40, s6, s10, $0xb8;
	[tilespmem:$0x13800] =	vst v63  }
0x2b: {  	s26 =	simm.s32 $0x230  }
0x2c: {  	[tilespmem:s1], [sflag:$0x2] =	stream.indirect.gather [hbm4b:s3+s10], $0x40, s26, s10, $0xb8;
	[tilespmem:$0x13800] =	vst v63  }
0x2d: {  	s5 =	simm.s32 $0x268  }
0x2e: {  	[tilespmem:s12], [sflag:$0x2] =	stream.indirect.gather [hbm4b:s3+s10], $0x40, s5, s10, $0xb8;
	[tilespmem:$0x13800] =	vst v63  }
0x2f: {  	s6 =	simm.s32 $0x2A0  }
0x30: {  	[tilespmem:s16], [sflag:$0x2] =	stream.indirect.gather [hbm4b:s3+s10], $0x40, s6, s10, $0xb8;
	[tilespmem:$0x13800] =	vst v63  }
0x31: {  	s26 =	simm.s32 $0x2D8  }
0x32: {  	[tilespmem:s20], [sflag:$0x2] =	stream.indirect.gather [hbm4b:s3+s10], $0x40, s26, s10, $0xb8;
	[tilespmem:$0x13800] =	vst v63  }
0x33: {  	s5 =	simm.s32 $0x310  }
0x34: {  	[tilespmem:s24], [sflag:$0x2] =	stream.indirect.gather [hbm4b:s3+s10], $0x40, s5, s10, $0xb8;
	[tilespmem:$0x13800] =	vst v63  }
0x35: {  	s6 =	simm.s32 $0x348  }
0x36: {  	[tilespmem:s29], [sflag:$0x2] =	stream.indirect.gather [hbm4b:s3+s10], $0x40, s6, s10, $0xb8;
	[tilespmem:$0x13800] =	vst v63  }
0x37: {  	_ =	swait.ge [sflag:s31], $0x6400  }
0x38: {  	[sflag:s31] =	ssyncset.done $0x0  }
0x39: {  	[sflag:s31] =	ssyncadd.s32 $0xFFFF9C00  }
0x3a: {  	[hbm4b:s8+s2] =	stream.linear.scatter [tilespmem:s11], [sflag:$0x3], $0x6400, $0x38;
	[tilespmem:$0x13800] =	vst v63  }
0x3b: {  	_ =	swait.ge [sflag:s0], $0x6400  }
0x3c: {  	[sflag:s0] =	ssyncset.done $0x0  }
0x3d: {  	s26 =	simm.s32 $0x380;
	[sflag:s0] =	ssyncadd.s32 $0xFFFF9C00  }
0x3e: {  	[tilespmem:s11], [sflag:$0x1] =	stream.indirect.gather [hbm4b:s3+s10], $0x40, s26, s10, $0xb8;
	[tilespmem:$0x13800] =	vst v63  }
0x3f: {  	s5 =	simm.s32 $0x3B8  }
0x40: {  	[tilespmem:s13], [sflag:$0x1] =	stream.indirect.gather [hbm4b:s3+s10], $0x40, s5, s10, $0xb8;
	[tilespmem:$0x13800] =	vst v63  }
0x41: {  	s6 =	simm.s32 $0x3F0  }
0x42: {  	[tilespmem:s15], [sflag:$0x1] =	stream.indirect.gather [hbm4b:s3+s10], $0x40, s6, s10, $0xb8;
	[tilespmem:$0x13800] =	vst v63  }
0x43: {  	s26 =	simm.s32 $0x428  }
0x44: {  	[tilespmem:s17], [sflag:$0x1] =	stream.indirect.gather [hbm4b:s3+s10], $0x40, s26, s10, $0xb8;
	[tilespmem:$0x13800] =	vst v63  }
0x45: {  	s5 =	simm.s32 $0x460  }
0x46: {  	[tilespmem:s19], [sflag:$0x1] =	stream.indirect.gather [hbm4b:s3+s10], $0x40, s5, s10, $0xb8;
	[tilespmem:$0x13800] =	vst v63  }
0x47: {  	s6 =	simm.s32 $0x498  }
0x48: {  	[tilespmem:s21], [sflag:$0x1] =	stream.indirect.gather [hbm4b:s3+s10], $0x40, s6, s10, $0xb8;
	[tilespmem:$0x13800] =	vst v63  }
0x49: {  	s26 =	simm.s32 $0x4D0  }
0x4a: {  	[tilespmem:s23], [sflag:$0x1] =	stream.indirect.gather [hbm4b:s3+s10], $0x40, s26, s10, $0xb8;
	[tilespmem:$0x13800] =	vst v63  }
0x4b: {  	s5 =	simm.s32 $0x508  }
0x4c: {  	[tilespmem:s25], [sflag:$0x1] =	stream.indirect.gather [hbm4b:s3+s10], $0x40, s5, s10, $0xb8;
	[tilespmem:$0x13800] =	vst v63  }
0x4d: {  	_ =	swait.ge [sflag:s14], $0x6400  }
0x4e: {  	[sflag:s14] =	ssyncset.done $0x0  }
0x4f: {  	s6 =	sadd.s32 $0xC80, s8;
	[sflag:s14] =	ssyncadd.s32 $0xFFFF9C00  }
0x50: {  	[hbm4b:s6+s2] =	stream.linear.scatter [tilespmem:s28], [sflag:$0x4], $0x6400, $0x38;
	[tilespmem:$0x13800] =	vst v63  }
0x51: {  	_ =	swait.ge [sflag:s18], $0x6400  }
0x52: {  	[sflag:s18] =	ssyncset.done $0x0  }
0x53: {  	s26 =	simm.s32 $0x540;
	[sflag:s18] =	ssyncadd.s32 $0xFFFF9C00  }
0x54: {  	[tilespmem:s28], [sflag:$0x2] =	stream.indirect.gather [hbm4b:s3+s10], $0x40, s26, s10, $0xb8;
	[tilespmem:$0x13800] =	vst v63  }
0x55: {  	s5 =	simm.s32 $0x578  }
0x56: {  	[tilespmem:s30], [sflag:$0x2] =	stream.indirect.gather [hbm4b:s3+s10], $0x40, s5, s10, $0xb8;
	[tilespmem:$0x13800] =	vst v63  }
0x57: {  	s6 =	simm.s32 $0x5B0  }
0x58: {  	[tilespmem:s1], [sflag:$0x2] =	stream.indirect.gather [hbm4b:s3+s10], $0x40, s6, s10, $0xb8;
	[tilespmem:$0x13800] =	vst v63  }
0x59: {  	s26 =	simm.s32 $0x5E8  }
0x5a: {  	[tilespmem:s12], [sflag:$0x2] =	stream.indirect.gather [hbm4b:s3+s10], $0x40, s26, s10, $0xb8;
	[tilespmem:$0x13800] =	vst v63  }
0x5b: {  	s5 =	simm.s32 $0x620  }
0x5c: {  	[tilespmem:s16], [sflag:$0x2] =	stream.indirect.gather [hbm4b:s3+s10], $0x40, s5, s10, $0xb8;
	[tilespmem:$0x13800] =	vst v63  }
0x5d: {  	s6 =	simm.s32 $0x658  }
0x5e: {  	[tilespmem:s20], [sflag:$0x2] =	stream.indirect.gather [hbm4b:s3+s10], $0x40, s6, s10, $0xb8;
	[tilespmem:$0x13800] =	vst v63  }
0x5f: {  	s26 =	simm.s32 $0x690  }
0x60: {  	[tilespmem:s24], [sflag:$0x2] =	stream.indirect.gather [hbm4b:s3+s10], $0x40, s26, s10, $0xb8;
	[tilespmem:$0x13800] =	vst v63  }
0x61: {  	s4 =	sadd.s32 $0x1900, s8;
	s5 =	simm.s32 $0x6C8;
	s26 =	simm.s32 $0xE00  }
.LBB2_2:
0x62: {  	[tilespmem:s29], [sflag:$0x2] =	stream.indirect.gather [hbm4b:s3+s10], $0x40, s5, s10, $0xb8;
	[tilespmem:$0x13800] =	vst v63  }
0x63: {  	s5 =	smov.u32 s26  }
0x64: {  	p0 =	sne.s32 s26, $0x1A400;
	s26 =	sadd.s32 $0xE00, s26;
	_ =	swait.ge [sflag:s31], $0x6400  }
0x65: {  	[sflag:s31] =	ssyncset.done $0x0  }
0x66: {  	[sflag:s31] =	ssyncadd.s32 $0xFFFF9C00  }
0x67: {  	[hbm4b:s4+s2] =	stream.linear.scatter [tilespmem:s11], [sflag:$0x3], $0x6400, $0x38;
	[tilespmem:$0x13800] =	vst v63  }
0x68: {  	_ =	swait.ge [sflag:s0], $0x6400  }
0x69: {  	s5 =	sshra.s32 s5, $0x2;
	[sflag:s0] =	ssyncset.done $0x0  }
0x6a: {  	s6 =	sadd.s32 $0x380, s5;
	[sflag:s0] =	ssyncadd.s32 $0xFFFF9C00  }
0x6b: {  	[tilespmem:s11], [sflag:$0x1] =	stream.indirect.gather [hbm4b:s3+s10], $0x40, s6, s10, $0xb8;
	[tilespmem:$0x13800] =	vst v63  }
0x6c: {  	s6 =	sadd.s32 $0x3B8, s5  }
0x6d: {  	[tilespmem:s13], [sflag:$0x1] =	stream.indirect.gather [hbm4b:s3+s10], $0x40, s6, s10, $0xb8;
	[tilespmem:$0x13800] =	vst v63  }
0x6e: {  	s6 =	sadd.s32 $0x3F0, s5  }
0x6f: {  	[tilespmem:s15], [sflag:$0x1] =	stream.indirect.gather [hbm4b:s3+s10], $0x40, s6, s10, $0xb8;
	[tilespmem:$0x13800] =	vst v63  }
0x70: {  	s6 =	sadd.s32 $0x428, s5  }
0x71: {  	[tilespmem:s17], [sflag:$0x1] =	stream.indirect.gather [hbm4b:s3+s10], $0x40, s6, s10, $0xb8;
	[tilespmem:$0x13800] =	vst v63  }
0x72: {  	s6 =	sadd.s32 $0x460, s5  }
0x73: {  	[tilespmem:s19], [sflag:$0x1] =	stream.indirect.gather [hbm4b:s3+s10], $0x40, s6, s10, $0xb8;
	[tilespmem:$0x13800] =	vst v63  }
0x74: {  	s6 =	sadd.s32 $0x498, s5  }
0x75: {  	[tilespmem:s21], [sflag:$0x1] =	stream.indirect.gather [hbm4b:s3+s10], $0x40, s6, s10, $0xb8;
	[tilespmem:$0x13800] =	vst v63  }
0x76: {  	s6 =	sadd.s32 $0x4D0, s5  }
0x77: {  	[tilespmem:s23], [sflag:$0x1] =	stream.indirect.gather [hbm4b:s3+s10], $0x40, s6, s10, $0xb8;
	[tilespmem:$0x13800] =	vst v63  }
0x78: {  	s6 =	sadd.s32 $0x508, s5  }
0x79: {  	[tilespmem:s25], [sflag:$0x1] =	stream.indirect.gather [hbm4b:s3+s10], $0x40, s6, s10, $0xb8;
	[tilespmem:$0x13800] =	vst v63  }
0x7a: {  	_ =	swait.ge [sflag:s14], $0x6400  }
0x7b: {  	[sflag:s14] =	ssyncset.done $0x0  }
0x7c: {  	s6 =	sadd.s32 $0xC80, s4;
	[sflag:s14] =	ssyncadd.s32 $0xFFFF9C00  }
0x7d: {  	[hbm4b:s6+s2] =	stream.linear.scatter [tilespmem:s28], [sflag:$0x4], $0x6400, $0x38;
	[tilespmem:$0x13800] =	vst v63  }
0x7e: {  	_ =	swait.ge [sflag:s18], $0x6400  }
0x7f: {  	[sflag:s18] =	ssyncset.done $0x0  }
0x80: {  	s6 =	sadd.s32 $0x540, s5;
	[sflag:s18] =	ssyncadd.s32 $0xFFFF9C00  }
0x81: {  	[tilespmem:s28], [sflag:$0x2] =	stream.indirect.gather [hbm4b:s3+s10], $0x40, s6, s10, $0xb8;
	[tilespmem:$0x13800] =	vst v63  }
0x82: {  	s6 =	sadd.s32 $0x578, s5  }
0x83: {  	[tilespmem:s30], [sflag:$0x2] =	stream.indirect.gather [hbm4b:s3+s10], $0x40, s6, s10, $0xb8;
	[tilespmem:$0x13800] =	vst v63  }
0x84: {  	s6 =	sadd.s32 $0x5B0, s5  }
0x85: {  	[tilespmem:s1], [sflag:$0x2] =	stream.indirect.gather [hbm4b:s3+s10], $0x40, s6, s10, $0xb8;
	[tilespmem:$0x13800] =	vst v63  }
0x86: {  	s6 =	sadd.s32 $0x5E8, s5  }
0x87: {  	[tilespmem:s12], [sflag:$0x2] =	stream.indirect.gather [hbm4b:s3+s10], $0x40, s6, s10, $0xb8;
	[tilespmem:$0x13800] =	vst v63  }
0x88: {  	s6 =	sadd.s32 $0x620, s5  }
0x89: {  	[tilespmem:s16], [sflag:$0x2] =	stream.indirect.gather [hbm4b:s3+s10], $0x40, s6, s10, $0xb8;
	[tilespmem:$0x13800] =	vst v63  }
.Ltmp0:
0x8a: {  	s6 =	sadd.s32 $0x658, s5;
	(pc) =	sbr.rel @p0 .LBB2_2-.Ltmp0, $4  }
0x8b: {  	[tilespmem:s20], [sflag:$0x2] =	stream.indirect.gather [hbm4b:s3+s10], $0x40, s6, s10, $0xb8;
	[tilespmem:$0x13800] =	vst v63  }
0x8c: {  	s6 =	sadd.s32 $0x690, s5  }
0x8d: {  	[tilespmem:s24], [sflag:$0x2] =	stream.indirect.gather [hbm4b:s3+s10], $0x40, s6, s10, $0xb8;
	[tilespmem:$0x13800] =	vst v63  }
0x8e: {  	s4 =	sadd.s32 $0x1900, s4;
	s5 =	sadd.s32 $0x6C8, s5  }
0x8f: {  	[tilespmem:s29], [sflag:$0x2] =	stream.indirect.gather [hbm4b:s3+s10], $0x40, s5, s10, $0xb8;
	[tilespmem:$0x13800] =	vst v63  }
0x90: {  	_ =	swait.ge [sflag:s31], $0x6400  }
0x91: {  	[sflag:s31] =	ssyncset.done $0x0  }
0x92: {  	s4 =	rddreg [dreg:$0x5];
	[sflag:s31] =	ssyncadd.s32 $0xFFFF9C00  }
0x93: {  	[hbm4b:s4+s2] =	stream.linear.scatter [tilespmem:s11], [sflag:$0x3], $0x6400, $0x38;
	[tilespmem:$0x13800] =	vst v63  }
0x94: {  	_ =	swait.ge [sflag:s14], $0x6400  }
0x95: {  	[sflag:s14] =	ssyncset.done $0x0  }
0x96: {  	[sflag:s14] =	ssyncadd.s32 $0xFFFF9C00  }
0x97: {  	[hbm4b:s7+s2] =	stream.linear.scatter [tilespmem:s28], [sflag:$0x4], $0x6400, $0x38;
	[tilespmem:$0x13800] =	vst v63  }
0x98: {  	_ =	swait.ge [sflag:s0], $0x6400  }
0x99: {  	[sflag:s0] =	ssyncset.done $0x0  }
0x9a: {  	[sflag:s0] =	ssyncadd.s32 $0xFFFF9C00  }
0x9b: {  	_ =	swait.ge [sflag:s18], $0x6400  }
0x9c: {  	s22 =	sadd.s32 $0x1, s22;
	s26 =	rddreg [dreg:$0x4]  }
0x9d: {  	p0 =	sne.s32 s22, s26  }
.Ltmp1:
0x9e: {  	_ = 	snop;
	(pc) =	sbr.rel @p0 .LBB2_1-.Ltmp1, $3  }
0x9f: {  	_ =	sdelay $0x1  }
0xa0: {  	[sflag:s18] =	ssyncset.done $0x0  }
0xa1: {  	[sflag:s18] =	ssyncadd.s32 $0xFFFF9C00  }
0xa2: {  	_ =	sfence.sel $0x180000  }
0xa3: {  	[bflag:$0x0] =	sbarrier.arrive $0xFFFF  }
0xa4: {  	_ =	strace $0x90000047  }
0xa5: {  	s0 =	stileid.u32;
	[bflag:$0x2] =	sbarrier.arrive $0xFFFF  }
0xa6: {  	p0 =	sne.s32 s0, $0x0;
	s0 =	rddreg [dreg:$0x2]  }
0xa7: {  	s0 =	sadd.s32 @!p0 $0x100000, s0  }
0xa8: {  	[sflag:s0] =	ssyncadd.tile.s32 @!p0 $0x1;
	_ =	shalt  }
.Lfunc_end2:
_tile_overlayer_lowered:
.L_overlay_start_2:
0xa9: {  	(tag) =	ssettag $0x2  }
0xaa: {  	s0 =	rddreg [dreg:$0x0];
	s2 =	stileid.u32  }
0xab: {  	s1 =	rddreg [dreg:$0x1];
	p0 =	sne.s32 s2, $0x0  }
0xac: {  	s3 =	rddreg [dreg:$0x2];
	[bflag:$0x3] =	sbarrier.arrive $0xFFFF;
	s2 =	simm.s32 @!p0 $0x1C05  }
0xad: {  	[timem:s3], [sflag:s2] =	dma.local @!p0 [hbm:s0], s1  }
0xae: {  	s0 =	simm.s32 @!p0 $0x5  }
0xaf: {  	_ =	swait.ge @!p0 [sflag:s0], s1  }
0xb0: {  	s1 =	ssub.s32 @!p0 $0x0, s1;
	[sflag:s0] =	ssyncset.done @!p0 $0x0  }
0xb1: {  	[sflag:s0] =	ssyncadd.s32 @!p0 s1  }
0xb2: {  	[bflag:$0x3] =	sbarrier.arrive $0xFFFF  }
0xb3: {  	_ =	shalt  }

// kernel: sparse-core-data-format-call.cloned.1.call-start
scs
called_computation_lowered:
.L_overlay_start_0:
0x0: {  	s2 =	sld [smem:$0x3FD9]  }
0x1: {  	s3 =	sld [smem:$0x3FFE];
	_ =	sdelay $0x1  }
0x2: {  	s1 =	srdreg.scid  }
0x3: {  	s0 =	sand.u32 $0x1, s1  }
0x4: {  	s18 =	sshll.u32 s0, $0xA;
	s2 =	sadd.s32 s3, s2  }
0x5: {  	s2 =	sadd.s32 s2, s18  }
0x6: {  	[smem:$0x3FC6] =	sst s2  }
0x7: {  	_ = 	snop  }
0x8: {  	s2 =	sld [smem:$0x3FD0];
	(tm) =	ssettm $0x1  }
0x9: {  	s19 =	sld [smem:$0x3FFB];
	_ =	sdelay $0x3  }
0xa: {  	_ =	strace s19  }
0xb: {  	s3 =	sld [smem:$0x3FFC];
	_ =	sdelay $0x3  }
0xc: {  	_ =	strace s3  }
0xd: {  	s3 =	sld [smem:$0x3FFD];
	_ =	sdelay $0x3  }
0xe: {  	_ =	strace s3  }
0xf: {  	_ =	strace $0x8FFFFFFF  }
0x10: {  	s20 =	sld [smem:$0x3FDB];
	_ =	sdelay $0x1  }
0x11: {  	s4 =	simm.s32 $_scs_section_size  }
0x12: {  	s5 =	simm.s32 $_size__tile_overlayer_lowered;
	s6 =	simm.s32 $_tile_overlayer_lowered  }
0x13: {  	s23 =	simm.s32 $0x1BFF;
	s22 =	sshll.u32 s6, $0x1;
	s3 =	sadd.s32 s4, s20  }
0x14: {  	s7 =	simm.s32 $0x0;
	s21 =	sshll.u32 s5, $0x1;
	s5 =	sadd.s32 s22, s3  }
0x15: {  	[timem:s7], [sflag:s23] =	dma.local [hbm:s5], s21  }
0x16: {  	_ =	swait.ge [sflag:s23], s21  }
0x17: {  	s4 =	ssub.s32 $0x0, s21;
	[sflag:s23] =	ssyncset.done $0x0  }
0x18: {  	[sflag:s23] =	ssyncadd.s32 s4;
	_ =	sdelay $0x1  }
0x19: {  	s24 =	simm.s32 $0x1B8B  }
0x1a: {  	_ =	swait.ge [sflag:s24], $0x1  }
0x1b: {  	[sflag:s24] =	ssyncset.done $0x0  }
0x1c: {  	s26 =	simm.s32 $0x1B8E;
	s25 =	sld [smem:$0x3FFE];
	[sflag:s24] =	ssyncadd.s32 $0xFFFFFFFF  }
0x1d: {  	s27 =	simm.s32 $execute0_lowered;
	[smem:$0x3FD2] =	sst s26  }
0x1e: {  	s5 =	sshll.u32 s27, $0x1;
	_ =	strace $0x80000049;
	[dreg:$0x1] =	wrdreg $0xFFFFFFFF  }
0x1f: {  	s28 =	simm.s32 $_size_execute0_lowered;
	s3 =	sadd.s32 s3, s5;
	[dreg:$0x0] =	wrdreg $0x0  }
0x20: {  	s5 =	sshll.u32 s28, $0x1;
	[dreg:$0x2] =	wrdreg s3  }
0x21: {  	[dreg:$0x3] =	wrdreg s5  }
0x22: {  	[dreg:$0x4] =	wrdreg $0xC0  }
0x23: {  	_ =	task [dreg:s7], $0x5FFFF  }
0x24: {  	[dreg:$0x1] =	wrdreg $0xFFFFFFFF  }
0x25: {  	[dreg:$0x0] =	wrdreg $0x60  }
0x26: {  	[dreg:$0x2] =	wrdreg s25  }
0x27: {  	[dreg:$0x3] =	wrdreg s2  }
0x28: {  	[dreg:$0x4] =	wrdreg $0x9  }
0x29: {  	_ =	task.clear_ibuf [dreg:s7], $0x5FFFF;
	_ =	strace $0x90000049  }
0x2a: {  	s29 =	simm.s32 $0x9;
	_ =	strace $0x8000004B  }
0x2b: {  	_ =	swait.ge [sflag:s29], $0x1  }
0x2c: {  	[sflag:s29] =	ssyncadd.s32 $0xFFFFFFFF  }
0x2d: {  	_ =	strace $0x9000004B  }
0x2e: {  	_ =	sfence  }
0x2f: {  	s30 =	sld [smem:$0x0];
	_ =	sdelay $0x2  }
0x30: {  	s31 =	sshll.u32 s1, $0xD;
	s1 =	sshrl.u32 s1, $0x2  }
0x31: {  	s3 =	sand.u32 $0x4000, s31;
	s1 =	sadd.s32 s1, s30  }
0x32: {  	s0 =	sor.u32 s3, s0;
	s1 =	sshll.u32 s1, $0x11  }
0x33: {  	s0 =	sor.u32 s1, s0  }
0x34: {  	s0 =	sadd.s32 $0x8F2B, s0  }
0x35: {  	[sflag:s0] =	ssyncadd.remote.s32 $0x1  }
0x36: {  	_ =	sfence.sel $0xFFFF  }
0x37: {  	[dreg:$0x0] =	wrdreg $0xFFFFFFFF;
	(pc) =	sbr.abs _section_cstart, $3  }
0x38: {  	[dreg:$0x1] =	wrdreg $0xFFFFFFFF  }
0x39: {  	_ =	task.clear_ibuf [dreg:s7], $0x2FFFF;
	_ =	strace $0x9FFFFFFF  }
0x3a: {  	(tm) =	ssettm $0x7FFFFFFF  }
0x3b: {  	_ =	shalt  }
tec
execute0_lowered:
.L_overlay_start_1:
0x0: {  	(tag) =	ssettag $0x1  }
0x1: {  	s0 =	srdreg.scid  }
0x2: {  	s1 =	sshll.u32 s0, $0x4  }
0x3: {  	s0 =	stileid.u32;
	s1 =	sand.u32 $0x10, s1  }
0x4: {  	s1 =	sor.u32 s0, s1  }
0x5: {  	s6 =	rddreg [dreg:$0x0];
	s4 =	simm.s32 $0x1;
	s2 =	sshll.u32 s1, $0x7  }
0x6: {  	s7 =	simm.s32 $0x2;
	s12 =	simm.s32 $0x0;
	s1 =	ssub.s32 $0x4000, s2  }
0x7: {  	s8 =	simm.s32 $0x20000;
	s13 =	simm.s32 $0x0;
	s3 =	sand.u32 $0xF80, s1  }
0x8: {  	s9 =	simm.s32 $0x0;
	s5 =	sshrl.u32 s1, $0xC;
	p0 =	sne.s32 s3, $0x0  }
.Ltmp0:
0x9: {  	s1 =	rddreg [dreg:$0x2];
	s4 =	simm.s32 @!p0 $0x0;
	(pc) =	sbr.rel .LBB1_1-.Ltmp0, $4  }
0xa: {  	s11 =	simm.s32 $0x0;
	s3 =	rddreg [dreg:$0x1];
	s5 =	sadd.s32 s4, s5  }
0xb: {  	_ =	strace $0x8000004A;
	s4 =	simm.s32 $0x1;
	s5 =	smul.u32 $0x32, s5  }
0xc: {  	s6 =	sadd.s32 $0xA00, s6;
	s10 =	smov.u32 s2;
	[sflag:s4] =	ssyncpa.u1 $0x0  }
0xd: {  	p0 =	por $0x0, $0x0;
	[sflag:s7] =	ssyncpa.u1 $0x0;
	s7 =	sor.u32 $0x1, s5  }
.LBB1_4:
0xe: {  	s16 =	sshll.u32 s13, $0x3;
	s17 =	sand.u32 $0x78, s13  }
0xf: {  	s30 =	sand.u32 $0x1F800, s13;
	s12 =	sshll.u32 s12, $0x11;
	s16 =	sand.u32 $0x3C00, s16  }
0x10: {  	[tilespmem:s15+$0x810 ss:$0x81] =	vst.msk $0xffff, v2;
	s31 =	sand.u32 $0x7, s13;
	s16 =	sor.u32 s17, s16;
	s17 =	sadd.s32 s3, s30  }
0x11: {  	[tilespmem:s15+$0x1020 ss:$0x81] =	vst.msk $0xffff, v0;
	s13 =	sshll.u32 s31, $0x12;
	s12 =	sadd.s32 s12, s17;
	s16 =	sshrl.u32 s16, $0x3  }
0x12: {  	[tilespmem:s15+$0x0 ss:$0x81] =	vst.msk $0xffff, v1;
	s13 =	sor.u32 $0x400, s13;
	s12 =	sadd.s32 s16, s12  }
0x13: {  	[hbm4b:s12+s13] =	stream.strided.scatter [tilespmem:s14], [sflag:$0x2], $0x2000, s8, s13, $0x20;
	[tilespmem:$0x8080] =	vst v63  }
.LBB1_5:
0x14: {  	s14 =	sadd.s32 $0x1, s9  }
0x15: {  	s12 =	sadd.s32 $0x1000, s10;
	s16 =	smov.u32 s10;
	p2 =	sgt.s32 s14, $0x31  }
0x16: {  	s16 =	smov.u32 @p2 s12  }
0x17: {  	s14 =	simm.s32 @p2 $0x0;
	p2 =	sgt.s32 s16, $0x3FFF  }
0x18: {  	s16 =	smov.u32 @p2 s2;
	p2 =	sne.s32 s11, s7  }
.Ltmp1:
0x19: {  	p1 =	slt.u32 s11, $0x2;
	(pc) =	sbr.rel @!p2 .LBB1_6-.Ltmp1, $4  }
0x1a: {  	s15 =	simm.s32 @!p1 $0x2  }
0x1b: {  	s13 =	smov.u32 s10;
	p0 =	por !p0, !p0;
	_ =	swait.ge @!p1 [sflag:s15], $0x2000  }
0x1c: {  	s12 =	smov.u32 s9;
	[sflag:s15] =	ssyncset.done @!p1 $0x0;
	s9 =	smov.u32 s14  }
0x1d: {  	s11 =	sadd.s32 $0x1, s11;
	[sflag:s15] =	ssyncadd.s32 @!p1 $0xFFFFE000;
	s10 =	smov.u32 s16  }
.LBB1_1:
0x1e: {  	p1 =	sge.u32 s11, s5  }
0x1f: {  	s14 =	sand.u32 @!p1 $0x1FFFFFF, s9  }
0x20: {  	s15 =	smulhi.u32 @!p1 $0x4924925, s14;
	_ =	sdelay $0x1  }
0x21: {  	s15 =	smul.u32 @!p1 $0x38, s15  }
0x22: {  	s16 =	sxor.u32 @!p1 $0xFFFFFFFF, s11;
	s17 =	smul.u32 @!p1 $0x380, s10  }
0x23: {  	s31 =	sadd.s32 $0xFFFFFFFF, s11;
	s16 =	sshll.u32 @!p1 s16, $0xD;
	s14 =	ssub.s32 @!p1 s14, s15  }
0x24: {  	s15 =	sand.u32 @!p1 $0x2000, s16;
	s16 =	sadd.s32 @!p1 s6, s17;
	s14 =	sshll.u32 @!p1 s14, $0x4  }
0x25: {  	s17 =	simm.s32 @!p1 $0x1C00;
	s14 =	sadd.s32 @!p1 s14, s16;
	s16 =	simm.s32 @!p1 $0x40  }
0x26: {  	[tilespmem:s15], [sflag:$0x1] =	stream.strided.gather @!p1 [hbm4b:s14+s16], $0x2000, s17, s16, $0x38;
	[tilespmem:$0x8080] =	vst v63  }
0x27: {  	p1 =	sge.u32 s31, s5  }
.Ltmp2:
0x28: {  	_ = 	snop;
	(pc) =	sbr.rel @p1 .LBB1_5-.Ltmp2, $1  }
0x29: {  	_ =	sdelay $0x3  }
0x2a: {  	s14 =	simm.s32 $0x1  }
0x2b: {  	_ =	swait.ge [sflag:s4], $0x2000;
	s14 =	simm.s32 @!p0 $0x0  }
0x2c: {  	[sflag:s4] =	ssyncset.done $0x0;
	s15 =	sshll.u32 s14, $0xD  }
0x2d: {  	[sflag:s4] =	ssyncadd.s32 $0xFFFFE000;
	s18 =	sor.u32 $0x20, s15  }
0x2e: {  	s14 =	smul.u32 $0x8100, s14;
	v3 =	vld [tilespmem:s18+$0x10]  }
0x2f: {  	s30 =	sand.u32 $0x1, s11;
	v2 =	vld [tilespmem:s18+$0xFFFFFFF0]  }
0x30: {  	s15 =	smul.u32 $0x8100, s30;
	s14 =	sshrl.u32 s14, $0x2;
	v0 =	vld [tilespmem:s18+$0x0]  }
0x31: {  	v1 =	vld [tilespmem:s18+$0xFFFFFFE0];
	s16 =	sor.u32 $0x4000, s14  }
0x32: {  	s31 =	sshrl.u32 s15, $0x2;
	s15 =	sadd.s32 $0x0, s16  }
0x33: {  	s17 =	simm.s32 $0x4;
	s18 =	sadd.s32 $0x40, s18;
	s14 =	sor.u32 $0x4000, s31;
	[tilespmem:s15+$0x1830 ss:$0x81] =	vst.msk $0xffff, v3  }
.LBB1_3:
0x34: {  	v3 =	vld [tilespmem:s18+$0x10];
	p1 =	sne.s32 s17, $0x1FC;
	[tilespmem:s15+$0x810 ss:$0x81] =	vst.msk $0xffff, v2;
	s19 =	smov.u32 s17;
	s17 =	sadd.s32 $0x4, s17  }
.Ltmp3:
0x35: {  	v2 =	vld [tilespmem:s18+$0xFFFFFFF0];
	[tilespmem:s15+$0x1020 ss:$0x81] =	vst.msk $0xffff, v0;
	(pc) =	sbr.rel @p1 .LBB1_3-.Ltmp3, $4  }
0x36: {  	v0 =	vld [tilespmem:s18+$0x0];
	[tilespmem:s15+$0x0 ss:$0x81] =	vst.msk $0xffff, v1  }
0x37: {  	s15 =	sshra.s32 s19, $0x2;
	v1 =	vld [tilespmem:s18+$0xFFFFFFE0]  }
0x38: {  	s15 =	sadd.s32 s15, s16  }
0x39: {  	s18 =	sadd.s32 $0x40, s18;
	[tilespmem:s15+$0x1830 ss:$0x81] =	vst.msk $0xffff, v3  }
.Ltmp4:
0x3a: {  	_ = 	snop;
	(pc) =	sbr.rel .LBB1_4-.Ltmp4, $1  }
0x3b: {  	_ =	sdelay $0x3  }
.LBB1_6:
0x3c: {  	_ =	sfence.sel $0x180000  }
0x3d: {  	s2 =	simm.s32 $0x1;
	[bflag:$0x0] =	sbarrier.arrive $0xFFFF  }
0x3e: {  	s31 =	simm.s32 $0x2;
	[sflag:s2] =	ssyncpa.u1 $0x1  }
0x3f: {  	[sflag:s31] =	ssyncpa.u1 $0x1  }
0x40: {  	p0 =	sne.s32 s0, $0x0;
	_ =	strace $0x9000004A  }
0x41: {  	s0 =	sadd.s32 @!p0 $0x100000, s1;
	[bflag:$0x2] =	sbarrier.arrive $0xFFFF  }
0x42: {  	[sflag:s0] =	ssyncadd.tile.s32 @!p0 $0x1;
	_ =	shalt  }
.Lfunc_end1:
_tile_overlayer_lowered:
.L_overlay_start_2:
0x43: {  	(tag) =	ssettag $0x2  }
0x44: {  	s0 =	rddreg [dreg:$0x0];
	s2 =	stileid.u32  }
0x45: {  	s1 =	rddreg [dreg:$0x1];
	p0 =	sne.s32 s2, $0x0  }
0x46: {  	s3 =	rddreg [dreg:$0x2];
	[bflag:$0x3] =	sbarrier.arrive $0xFFFF;
	s2 =	simm.s32 @!p0 $0x1C01  }
0x47: {  	[timem:s3], [sflag:s2] =	dma.local @!p0 [hbm:s0], s1  }
0x48: {  	s0 =	simm.s32 @!p0 $0x1  }
0x49: {  	_ =	swait.ge @!p0 [sflag:s0], s1  }
0x4a: {  	s1 =	ssub.s32 @!p0 $0x0, s1;
	[sflag:s0] =	ssyncset.done @!p0 $0x0  }
0x4b: {  	[sflag:s0] =	ssyncadd.s32 @!p0 s1  }
0x4c: {  	[bflag:$0x3] =	sbarrier.arrive $0xFFFF  }
0x4d: {  	_ =	shalt  }

</sc_bundles>
